<compile_context>
chip_gen: v7x
topology: tpu7x:2x2x1
jax: 0.10.2.dev20260603
libtpu: 0.0.44.dev20260713+nightly
codegen_flags: <defaults>
</compile_context>

<pallas_src>
import functools

import jax
import jax.numpy as jnp
from jax import lax
from jax.experimental import pallas as pl
from jax.experimental.pallas import tpu as pltpu
from jax.experimental.pallas import tpu_sc as plsc

K1 = 17
TN = 128
NC = 2
NS = 16
NW = NC * NS
L = 16


def _knn_kernel(pc_tile_ref, pc_all_ref, idx_ref):
    pc_t = pc_tile_ref[0]
    pc_a = pc_all_ref[0]
    n = pc_a.shape[1]
    tn = pc_t.shape[1]

    sq_t = jnp.sum(pc_t * pc_t, axis=0)
    sq_a = jnp.sum(pc_a * pc_a, axis=0)
    dot = lax.dot_general(pc_t, pc_a, (((0,), (0,)), ((), ())),
                          preferred_element_type=jnp.float32)
    work = sq_t[:, None] + sq_a[None, :] - 2.0 * dot

    iota = lax.broadcasted_iota(jnp.int32, (tn, n), 1)
    for k in range(K1):
        am = jnp.argmin(work, axis=1).astype(jnp.int32)
        work = jnp.where(iota == am[:, None], jnp.float32(jnp.inf), work)
        idx_ref[0, k, :] = am


def _sc_edge_body(n, b_total, pc_hbm, idx_hbm, out_hbm, x_v, y_v, z_v,
                  ix_v, dx_v, dy_v, dz_v):
    pairs = b_total * K1
    trips = (pairs + NW - 1) // NW
    wid = lax.axis_index("s") * NC + lax.axis_index("c")

    def pair_body(t, carry):
        p = wid + NW * t

        @pl.when(p < pairs)
        def _():
            b = p // K1
            k = p - b * K1
            pc_base = b * (3 * n)
            pltpu.sync_copy(pc_hbm.at[pl.ds(pc_base, n)], x_v)
            pltpu.sync_copy(pc_hbm.at[pl.ds(pc_base + n, n)], y_v)
            pltpu.sync_copy(pc_hbm.at[pl.ds(pc_base + 2 * n, n)], z_v)
            pltpu.sync_copy(idx_hbm.at[pl.ds(p * n, n)], ix_v)

            def chunk(i, c2):
                sl = pl.ds(i * L, L)
                jv = ix_v[sl]
                dx_v[sl] = plsc.load_gather(x_v, [jv]) - x_v[sl]
                dy_v[sl] = plsc.load_gather(y_v, [jv]) - y_v[sl]
                dz_v[sl] = plsc.load_gather(z_v, [jv]) - z_v[sl]
                return c2

            lax.fori_loop(0, n // L, chunk, 0)
            out_base = (b * 6 * K1 + k) * n
            kn = K1 * n
            pltpu.sync_copy(x_v, out_hbm.at[pl.ds(out_base, n)])
            pltpu.sync_copy(y_v, out_hbm.at[pl.ds(out_base + kn, n)])
            pltpu.sync_copy(z_v, out_hbm.at[pl.ds(out_base + 2 * kn, n)])
            pltpu.sync_copy(dx_v, out_hbm.at[pl.ds(out_base + 3 * kn, n)])
            pltpu.sync_copy(dy_v, out_hbm.at[pl.ds(out_base + 4 * kn, n)])
            pltpu.sync_copy(dz_v, out_hbm.at[pl.ds(out_base + 5 * kn, n)])

        return carry

    lax.fori_loop(0, trips, pair_body, 0)


def _half(point_cloud):
    B, D, N = point_cloud.shape
    idx = pl.pallas_call(
        _knn_kernel,
        grid=(B, N // TN),
        in_specs=[
            pl.BlockSpec((1, D, TN), lambda b, j: (b, 0, j)),
            pl.BlockSpec((1, D, N), lambda b, j: (b, 0, 0)),
        ],
        out_specs=pl.BlockSpec((1, K1, TN), lambda b, j: (b, 0, j)),
        out_shape=jax.ShapeDtypeStruct((B, K1, N), jnp.int32),
        compiler_params=pltpu.CompilerParams(
            dimension_semantics=("parallel", "parallel")),
    )(point_cloud, point_cloud)

    mesh = plsc.VectorSubcoreMesh(core_axis_name="c", subcore_axis_name="s")
    sc_edge = pl.kernel(
        functools.partial(_sc_edge_body, N, B),
        mesh=mesh,
        compiler_params=pltpu.CompilerParams(needs_layout_passes=False),
        out_type=jax.ShapeDtypeStruct((B * 2 * D * K1 * N,), jnp.float32),
        scratch_types=[
            pltpu.VMEM((N,), jnp.float32),
            pltpu.VMEM((N,), jnp.float32),
            pltpu.VMEM((N,), jnp.float32),
            pltpu.VMEM((N,), jnp.int32),
            pltpu.VMEM((N,), jnp.float32),
            pltpu.VMEM((N,), jnp.float32),
            pltpu.VMEM((N,), jnp.float32),
        ],
    )
    ef_flat = sc_edge(point_cloud.reshape(-1), idx.reshape(-1))
    return ef_flat.reshape(B, 2 * D, K1, N), idx


def kernel(point_cloud):
    B = point_cloud.shape[0]
    step = 2
    efs, idxs = [], []
    for s in range(0, B, step):
        ef_c, idx_c = _half(point_cloud[s:s + step])
        efs.append(ef_c)
        idxs.append(idx_c)
    return (jnp.concatenate(efs, axis=0), jnp.concatenate(idxs, axis=0))

# --- scband reference (transcript-rebuilt; emitter-appended) ---
"""Pipeline reference for scband-get-edge-feature-3040836845599 (READ-ONLY COPY).

The authoritative reference and input builder live on the scoring server;
editing this copy changes nothing except your own understanding.
"""

import jax, jax.numpy as jnp
import numpy as np

K_NEIGHBORS = 16


def setup_inputs(seed: int = 0) -> dict:
    key = jax.random.key(seed)
    point_cloud = jax.random.normal(key, (8, 3, 2048), dtype=jnp.float32)
    return {"point_cloud": point_cloud}


def _knn_points(pc, K):
    # pc: [B, N, D]; returns (dists [B,N,K], idx [B,N,K], nn [B,N,K,D]) sorted by ascending distance
    sq = jnp.sum(pc * pc, axis=-1)  # [B, N]
    d2 = sq[:, :, None] + sq[:, None, :] - 2.0 * jnp.einsum('bnd,bmd->bnm', pc, pc)  # [B, N, N]
    neg_vals, idx = jax.lax.top_k(-d2, K)  # sorted descending in -d2 == ascending in d2
    nn = jax.vmap(lambda p, i: p[i])(pc, idx)  # gather: [B, N, K, D]
    return -neg_vals, idx, nn


def reference(point_cloud):
    k = K_NEIGHBORS
    # point_cloud: [B, D, N] -> [B, N, D]
    pc = jnp.transpose(point_cloud, (0, 2, 1))
    _, idx, nn = _knn_points(pc, k + 1)
    # nn: [B, N, K+1, D] -> permute(0,3,2,1) -> [B, D, K+1, N]
    nn = jnp.transpose(nn, (0, 3, 2, 1))
    # idx: [B, N, K+1] -> transpose(1,2) -> [B, K+1, N]
    idx = jnp.transpose(idx, (0, 2, 1))
    # central: [B, N, D] -> [B, N, K+1, D] -> permute(0,3,2,1) -> [B, D, K+1, N]
    central = jnp.transpose(jnp.repeat(pc[:, :, None, :], k + 1, axis=2), (0, 3, 2, 1))
    edge_feature = jnp.concatenate([central, nn - central], axis=1)  # [B, 2D, K+1, N]
    return edge_feature, idx

if __name__ == "__main__":
    import jax
    _d = setup_inputs()
    print(jax.jit(kernel)(*tuple(_d.values())))

</pallas_src>

<mosaic_0001>
#map = affine_map<(d0, d1) -> (0)>
module attributes {stable_mosaic.version = 14 : i64} {
  func.func @_sc_edge_body(%arg0: i32, %arg1: i32, %arg2: memref<12288xf32, #tpu.memory_space<hbm>>, %arg3: memref<69632xi32, #tpu.memory_space<hbm>>, %arg4: memref<417792xf32, #tpu.memory_space<hbm>>, %arg5: memref<2048xf32, #tpu.memory_space<vmem>>, %arg6: memref<2048xf32, #tpu.memory_space<vmem>>, %arg7: memref<2048xf32, #tpu.memory_space<vmem>>, %arg8: memref<2048xi32, #tpu.memory_space<vmem>>, %arg9: memref<2048xf32, #tpu.memory_space<vmem>>, %arg10: memref<2048xf32, #tpu.memory_space<vmem>>, %arg11: memref<2048xf32, #tpu.memory_space<vmem>>) attributes {dimension_semantics = [#tpu.dimension_semantics<core_parallel>, #tpu.dimension_semantics<subcore_parallel>], iteration_bounds = array<i64: 2, 16>, scalar_prefetch = 0 : i64, scratch_operands = 7 : i64, tpu.core_type = #tpu.core_type<sc_vector_subcore>, window_params = [{transform_indices = #map}, {transform_indices = #map}, {transform_indices = #map}]} {
    %mul3A = arith.constant 2 : i32
    %mul3A_0 = arith.muli %arg1, %mul3A : i32
    %add3A = arith.addi %mul3A_0, %arg0 : i32
    %scan3A = arith.constant 0 : i32
    %scan3A_1 = arith.constant 0 : i32
    %scan3A_2 = arith.constant 2 : i32
    %scan3A_3 = arith.addi %scan3A_1, %scan3A_2 : i32
    %scan3A_4 = arith.constant 1 : i32
    scf.for %scan3A_6 = %scan3A_1 to %scan3A_3 step %scan3A_4  : i32 {
      %mul3A_7 = arith.constant 32 : i32
      %mul3A_8 = arith.muli %mul3A_7, %scan3A_6 : i32
      %add3A_9 = arith.addi %add3A, %mul3A_8 : i32
      %lt3A = arith.constant 34 : i32
      %lt3A_10 = arith.cmpi slt, %add3A_9, %lt3A : i32
      %convert_element_type3A = arith.extui %lt3A_10 : i1 to i32
      %cond3A = arith.constant 0 : i32
      %cond3A_11 = arith.cmpi ne, %convert_element_type3A, %cond3A : i32
      scf.if %cond3A_11 {
        %jit3A = arith.constant 17 : i32
        %div3A = arith.divsi %add3A_9, %jit3A : i32
        %sign3A = arith.constant 0 : i32
        %sign3A_12 = arith.cmpi sgt, %add3A_9, %sign3A : i32
        %sign3A_13 = arith.extui %sign3A_12 : i1 to i32
        %sign3A_14 = arith.constant 0 : i32
        %sign3A_15 = arith.cmpi slt, %add3A_9, %sign3A_14 : i32
        %sign3A_16 = arith.extui %sign3A_15 : i1 to i32
        %sign3A_17 = arith.subi %sign3A_13, %sign3A_16 : i32
        %sign3A_18 = arith.constant 0 : i32
        %sign3A_19 = arith.cmpi sgt, %jit3A, %sign3A_18 : i32
        %sign3A_20 = arith.extui %sign3A_19 : i1 to i32
        %sign3A_21 = arith.constant 0 : i32
        %sign3A_22 = arith.cmpi slt, %jit3A, %sign3A_21 : i32
        %sign3A_23 = arith.extui %sign3A_22 : i1 to i32
        %sign3A_24 = arith.subi %sign3A_20, %sign3A_23 : i32
        %ne3A = arith.cmpi ne, %sign3A_17, %sign3A_24 : i32
        %rem3A = arith.remsi %add3A_9, %jit3A : i32
        %ne3A_25 = arith.constant 0 : i32
        %ne3A_26 = arith.cmpi ne, %rem3A, %ne3A_25 : i32
        %and3A = arith.andi %ne3A, %ne3A_26 : i1
        %sub3A = arith.constant 1 : i32
        %sub3A_27 = arith.subi %div3A, %sub3A : i32
        %select_n3A = arith.select %and3A, %sub3A_27, %div3A : i32
        %mul3A_28 = arith.constant 17 : i32
        %mul3A_29 = arith.muli %select_n3A, %mul3A_28 : i32
        %sub3A_30 = arith.subi %add3A_9, %mul3A_29 : i32
        %mul3A_31 = arith.constant 6144 : i32
        %mul3A_32 = arith.muli %select_n3A, %mul3A_31 : i32
        "tpu.region"() ({
          %run_scoped3A = tpu.sem_alloc : memref<!tpu.dma_semaphore, #tpu.memory_space<semaphore_mem>>
          %dma_start3A = tpu.memref_slice %arg2[%mul3A_32] : memref<12288xf32, #tpu.memory_space<hbm>> -> memref<2048xf32, #tpu.memory_space<hbm>>
          %dma_start3A_62 = tpu.memref_slice %arg2[%mul3A_32] : memref<12288xf32, #tpu.memory_space<hbm>> -> memref<2048xf32, #tpu.memory_space<hbm>>
          tpu.enqueue_dma source(%dma_start3A_62 : memref<2048xf32, #tpu.memory_space<hbm>>) target(%arg5 : memref<2048xf32, #tpu.memory_space<vmem>>) target_semaphore(%run_scoped3A : memref<!tpu.dma_semaphore, #tpu.memory_space<semaphore_mem>>)
          %dma_wait3A = tpu.memref_slice %arg2[%mul3A_32] : memref<12288xf32, #tpu.memory_space<hbm>> -> memref<2048xf32, #tpu.memory_space<hbm>>
          %dma_wait3A_63 = tpu.memref_slice %arg2[%mul3A_32] : memref<12288xf32, #tpu.memory_space<hbm>> -> memref<2048xf32, #tpu.memory_space<hbm>>
          tpu.wait_dma2 semaphore(%run_scoped3A : memref<!tpu.dma_semaphore, #tpu.memory_space<semaphore_mem>>) src(%dma_wait3A_63 : memref<2048xf32, #tpu.memory_space<hbm>>) dst(%arg5 : memref<2048xf32, #tpu.memory_space<vmem>>)
          tpu.yield
        }) : () -> ()
        %add3A_33 = arith.constant 2048 : i32
        %add3A_34 = arith.addi %mul3A_32, %add3A_33 : i32
        "tpu.region"() ({
          %run_scoped3A = tpu.sem_alloc : memref<!tpu.dma_semaphore, #tpu.memory_space<semaphore_mem>>
          %dma_start3A = tpu.memref_slice %arg2[%add3A_34] : memref<12288xf32, #tpu.memory_space<hbm>> -> memref<2048xf32, #tpu.memory_space<hbm>>
          %dma_start3A_62 = tpu.memref_slice %arg2[%add3A_34] : memref<12288xf32, #tpu.memory_space<hbm>> -> memref<2048xf32, #tpu.memory_space<hbm>>
          tpu.enqueue_dma source(%dma_start3A_62 : memref<2048xf32, #tpu.memory_space<hbm>>) target(%arg6 : memref<2048xf32, #tpu.memory_space<vmem>>) target_semaphore(%run_scoped3A : memref<!tpu.dma_semaphore, #tpu.memory_space<semaphore_mem>>)
          %dma_wait3A = tpu.memref_slice %arg2[%add3A_34] : memref<12288xf32, #tpu.memory_space<hbm>> -> memref<2048xf32, #tpu.memory_space<hbm>>
          %dma_wait3A_63 = tpu.memref_slice %arg2[%add3A_34] : memref<12288xf32, #tpu.memory_space<hbm>> -> memref<2048xf32, #tpu.memory_space<hbm>>
          tpu.wait_dma2 semaphore(%run_scoped3A : memref<!tpu.dma_semaphore, #tpu.memory_space<semaphore_mem>>) src(%dma_wait3A_63 : memref<2048xf32, #tpu.memory_space<hbm>>) dst(%arg6 : memref<2048xf32, #tpu.memory_space<vmem>>)
          tpu.yield
        }) : () -> ()
        %add3A_35 = arith.constant 4096 : i32
        %add3A_36 = arith.addi %mul3A_32, %add3A_35 : i32
        "tpu.region"() ({
          %run_scoped3A = tpu.sem_alloc : memref<!tpu.dma_semaphore, #tpu.memory_space<semaphore_mem>>
          %dma_start3A = tpu.memref_slice %arg2[%add3A_36] : memref<12288xf32, #tpu.memory_space<hbm>> -> memref<2048xf32, #tpu.memory_space<hbm>>
          %dma_start3A_62 = tpu.memref_slice %arg2[%add3A_36] : memref<12288xf32, #tpu.memory_space<hbm>> -> memref<2048xf32, #tpu.memory_space<hbm>>
          tpu.enqueue_dma source(%dma_start3A_62 : memref<2048xf32, #tpu.memory_space<hbm>>) target(%arg7 : memref<2048xf32, #tpu.memory_space<vmem>>) target_semaphore(%run_scoped3A : memref<!tpu.dma_semaphore, #tpu.memory_space<semaphore_mem>>)
          %dma_wait3A = tpu.memref_slice %arg2[%add3A_36] : memref<12288xf32, #tpu.memory_space<hbm>> -> memref<2048xf32, #tpu.memory_space<hbm>>
          %dma_wait3A_63 = tpu.memref_slice %arg2[%add3A_36] : memref<12288xf32, #tpu.memory_space<hbm>> -> memref<2048xf32, #tpu.memory_space<hbm>>
          tpu.wait_dma2 semaphore(%run_scoped3A : memref<!tpu.dma_semaphore, #tpu.memory_space<semaphore_mem>>) src(%dma_wait3A_63 : memref<2048xf32, #tpu.memory_space<hbm>>) dst(%arg7 : memref<2048xf32, #tpu.memory_space<vmem>>)
          tpu.yield
        }) : () -> ()
        %mul3A_37 = arith.constant 2048 : i32
        %mul3A_38 = arith.muli %add3A_9, %mul3A_37 : i32
        "tpu.region"() ({
          %run_scoped3A = tpu.sem_alloc : memref<!tpu.dma_semaphore, #tpu.memory_space<semaphore_mem>>
          %dma_start3A = tpu.memref_slice %arg3[%mul3A_38] : memref<69632xi32, #tpu.memory_space<hbm>> -> memref<2048xi32, #tpu.memory_space<hbm>>
          %dma_start3A_62 = tpu.memref_slice %arg3[%mul3A_38] : memref<69632xi32, #tpu.memory_space<hbm>> -> memref<2048xi32, #tpu.memory_space<hbm>>
          tpu.enqueue_dma source(%dma_start3A_62 : memref<2048xi32, #tpu.memory_space<hbm>>) target(%arg8 : memref<2048xi32, #tpu.memory_space<vmem>>) target_semaphore(%run_scoped3A : memref<!tpu.dma_semaphore, #tpu.memory_space<semaphore_mem>>)
          %dma_wait3A = tpu.memref_slice %arg3[%mul3A_38] : memref<69632xi32, #tpu.memory_space<hbm>> -> memref<2048xi32, #tpu.memory_space<hbm>>
          %dma_wait3A_63 = tpu.memref_slice %arg3[%mul3A_38] : memref<69632xi32, #tpu.memory_space<hbm>> -> memref<2048xi32, #tpu.memory_space<hbm>>
          tpu.wait_dma2 semaphore(%run_scoped3A : memref<!tpu.dma_semaphore, #tpu.memory_space<semaphore_mem>>) src(%dma_wait3A_63 : memref<2048xi32, #tpu.memory_space<hbm>>) dst(%arg8 : memref<2048xi32, #tpu.memory_space<vmem>>)
          tpu.yield
        }) : () -> ()
        %scan3A_39 = arith.constant 0 : i32
        %scan3A_40 = arith.constant 0 : i32
        %scan3A_41 = arith.constant 128 : i32
        %scan3A_42 = arith.addi %scan3A_40, %scan3A_41 : i32
        %scan3A_43 = arith.constant 1 : i32
        scf.for %scan3A_62 = %scan3A_40 to %scan3A_42 step %scan3A_43  : i32 {
          %mul3A_63 = arith.constant 16 : i32
          %mul3A_64 = arith.muli %scan3A_62, %mul3A_63 : i32
          %get3A = arith.index_cast %mul3A_64 : i32 to index
          %get3A_65 = tpu.vector_load %arg8[%get3A] {strides = array<i32>} : memref<2048xi32, #tpu.memory_space<vmem>>, vector<16xi32>,
          %gather3A = tpu.vector_load_idx %arg5[%get3A_65] : memref<2048xf32, #tpu.memory_space<vmem>>[vector<16xi32>], vector<16xf32>,
          %get3A_66 = arith.index_cast %mul3A_64 : i32 to index
          %get3A_67 = tpu.vector_load %arg5[%get3A_66] {strides = array<i32>} : memref<2048xf32, #tpu.memory_space<vmem>>, vector<16xf32>,
          %sub3A_68 = arith.subf %gather3A, %get3A_67 : vector<16xf32>
          %swap3A = arith.index_cast %mul3A_64 : i32 to index
          %swap3A_69 = tpu.vector_load %arg9[%swap3A] {strides = array<i32>} : memref<2048xf32, #tpu.memory_space<vmem>>, vector<16xf32>,
          tpu.vector_store %arg9[%swap3A], %sub3A_68 {strides = array<i32>} : memref<2048xf32, #tpu.memory_space<vmem>>, vector<16xf32>,
          %gather3A_70 = tpu.vector_load_idx %arg6[%get3A_65] : memref<2048xf32, #tpu.memory_space<vmem>>[vector<16xi32>], vector<16xf32>,
          %get3A_71 = arith.index_cast %mul3A_64 : i32 to index
          %get3A_72 = tpu.vector_load %arg6[%get3A_71] {strides = array<i32>} : memref<2048xf32, #tpu.memory_space<vmem>>, vector<16xf32>,
          %sub3A_73 = arith.subf %gather3A_70, %get3A_72 : vector<16xf32>
          %swap3A_74 = arith.index_cast %mul3A_64 : i32 to index
          %swap3A_75 = tpu.vector_load %arg10[%swap3A_74] {strides = array<i32>} : memref<2048xf32, #tpu.memory_space<vmem>>, vector<16xf32>,
          tpu.vector_store %arg10[%swap3A_74], %sub3A_73 {strides = array<i32>} : memref<2048xf32, #tpu.memory_space<vmem>>, vector<16xf32>,
          %gather3A_76 = tpu.vector_load_idx %arg7[%get3A_65] : memref<2048xf32, #tpu.memory_space<vmem>>[vector<16xi32>], vector<16xf32>,
          %get3A_77 = arith.index_cast %mul3A_64 : i32 to index
          %get3A_78 = tpu.vector_load %arg7[%get3A_77] {strides = array<i32>} : memref<2048xf32, #tpu.memory_space<vmem>>, vector<16xf32>,
          %sub3A_79 = arith.subf %gather3A_76, %get3A_78 : vector<16xf32>
          %swap3A_80 = arith.index_cast %mul3A_64 : i32 to index
          %swap3A_81 = tpu.vector_load %arg11[%swap3A_80] {strides = array<i32>} : memref<2048xf32, #tpu.memory_space<vmem>>, vector<16xf32>,
          tpu.vector_store %arg11[%swap3A_80], %sub3A_79 {strides = array<i32>} : memref<2048xf32, #tpu.memory_space<vmem>>, vector<16xf32>,
        }
        %scan3A_44 = arith.constant 128 : i32
        %mul3A_45 = arith.constant 6 : i32
        %mul3A_46 = arith.muli %select_n3A, %mul3A_45 : i32
        %mul3A_47 = arith.constant 17 : i32
        %mul3A_48 = arith.muli %mul3A_46, %mul3A_47 : i32
        %add3A_49 = arith.addi %mul3A_48, %sub3A_30 : i32
        %mul3A_50 = arith.constant 2048 : i32
        %mul3A_51 = arith.muli %add3A_49, %mul3A_50 : i32
        "tpu.region"() ({
          %run_scoped3A = tpu.sem_alloc : memref<!tpu.dma_semaphore, #tpu.memory_space<semaphore_mem>>
          %dma_start3A = tpu.memref_slice %arg4[%mul3A_51] : memref<417792xf32, #tpu.memory_space<hbm>> -> memref<2048xf32, #tpu.memory_space<hbm>>
          %dma_start3A_62 = tpu.memref_slice %arg4[%mul3A_51] : memref<417792xf32, #tpu.memory_space<hbm>> -> memref<2048xf32, #tpu.memory_space<hbm>>
          tpu.enqueue_dma source(%arg5 : memref<2048xf32, #tpu.memory_space<vmem>>) target(%dma_start3A_62 : memref<2048xf32, #tpu.memory_space<hbm>>) target_semaphore(%run_scoped3A : memref<!tpu.dma_semaphore, #tpu.memory_space<semaphore_mem>>)
          %dma_wait3A = tpu.memref_slice %arg4[%mul3A_51] : memref<417792xf32, #tpu.memory_space<hbm>> -> memref<2048xf32, #tpu.memory_space<hbm>>
          %dma_wait3A_63 = tpu.memref_slice %arg4[%mul3A_51] : memref<417792xf32, #tpu.memory_space<hbm>> -> memref<2048xf32, #tpu.memory_space<hbm>>
          tpu.wait_dma2 semaphore(%run_scoped3A : memref<!tpu.dma_semaphore, #tpu.memory_space<semaphore_mem>>) src(%arg5 : memref<2048xf32, #tpu.memory_space<vmem>>) dst(%dma_wait3A_63 : memref<2048xf32, #tpu.memory_space<hbm>>)
          tpu.yield
        }) : () -> ()
        %add3A_52 = arith.constant 34816 : i32
        %add3A_53 = arith.addi %mul3A_51, %add3A_52 : i32
        "tpu.region"() ({
          %run_scoped3A = tpu.sem_alloc : memref<!tpu.dma_semaphore, #tpu.memory_space<semaphore_mem>>
          %dma_start3A = tpu.memref_slice %arg4[%add3A_53] : memref<417792xf32, #tpu.memory_space<hbm>> -> memref<2048xf32, #tpu.memory_space<hbm>>
          %dma_start3A_62 = tpu.memref_slice %arg4[%add3A_53] : memref<417792xf32, #tpu.memory_space<hbm>> -> memref<2048xf32, #tpu.memory_space<hbm>>
          tpu.enqueue_dma source(%arg6 : memref<2048xf32, #tpu.memory_space<vmem>>) target(%dma_start3A_62 : memref<2048xf32, #tpu.memory_space<hbm>>) target_semaphore(%run_scoped3A : memref<!tpu.dma_semaphore, #tpu.memory_space<semaphore_mem>>)
          %dma_wait3A = tpu.memref_slice %arg4[%add3A_53] : memref<417792xf32, #tpu.memory_space<hbm>> -> memref<2048xf32, #tpu.memory_space<hbm>>
          %dma_wait3A_63 = tpu.memref_slice %arg4[%add3A_53] : memref<417792xf32, #tpu.memory_space<hbm>> -> memref<2048xf32, #tpu.memory_space<hbm>>
          tpu.wait_dma2 semaphore(%run_scoped3A : memref<!tpu.dma_semaphore, #tpu.memory_space<semaphore_mem>>) src(%arg6 : memref<2048xf32, #tpu.memory_space<vmem>>) dst(%dma_wait3A_63 : memref<2048xf32, #tpu.memory_space<hbm>>)
          tpu.yield
        }) : () -> ()
        %add3A_54 = arith.constant 69632 : i32
        %add3A_55 = arith.addi %mul3A_51, %add3A_54 : i32
        "tpu.region"() ({
          %run_scoped3A = tpu.sem_alloc : memref<!tpu.dma_semaphore, #tpu.memory_space<semaphore_mem>>
          %dma_start3A = tpu.memref_slice %arg4[%add3A_55] : memref<417792xf32, #tpu.memory_space<hbm>> -> memref<2048xf32, #tpu.memory_space<hbm>>
          %dma_start3A_62 = tpu.memref_slice %arg4[%add3A_55] : memref<417792xf32, #tpu.memory_space<hbm>> -> memref<2048xf32, #tpu.memory_space<hbm>>
          tpu.enqueue_dma source(%arg7 : memref<2048xf32, #tpu.memory_space<vmem>>) target(%dma_start3A_62 : memref<2048xf32, #tpu.memory_space<hbm>>) target_semaphore(%run_scoped3A : memref<!tpu.dma_semaphore, #tpu.memory_space<semaphore_mem>>)
          %dma_wait3A = tpu.memref_slice %arg4[%add3A_55] : memref<417792xf32, #tpu.memory_space<hbm>> -> memref<2048xf32, #tpu.memory_space<hbm>>
          %dma_wait3A_63 = tpu.memref_slice %arg4[%add3A_55] : memref<417792xf32, #tpu.memory_space<hbm>> -> memref<2048xf32, #tpu.memory_space<hbm>>
          tpu.wait_dma2 semaphore(%run_scoped3A : memref<!tpu.dma_semaphore, #tpu.memory_space<semaphore_mem>>) src(%arg7 : memref<2048xf32, #tpu.memory_space<vmem>>) dst(%dma_wait3A_63 : memref<2048xf32, #tpu.memory_space<hbm>>)
          tpu.yield
        }) : () -> ()
        %add3A_56 = arith.constant 104448 : i32
        %add3A_57 = arith.addi %mul3A_51, %add3A_56 : i32
        "tpu.region"() ({
          %run_scoped3A = tpu.sem_alloc : memref<!tpu.dma_semaphore, #tpu.memory_space<semaphore_mem>>
          %dma_start3A = tpu.memref_slice %arg4[%add3A_57] : memref<417792xf32, #tpu.memory_space<hbm>> -> memref<2048xf32, #tpu.memory_space<hbm>>
          %dma_start3A_62 = tpu.memref_slice %arg4[%add3A_57] : memref<417792xf32, #tpu.memory_space<hbm>> -> memref<2048xf32, #tpu.memory_space<hbm>>
          tpu.enqueue_dma source(%arg9 : memref<2048xf32, #tpu.memory_space<vmem>>) target(%dma_start3A_62 : memref<2048xf32, #tpu.memory_space<hbm>>) target_semaphore(%run_scoped3A : memref<!tpu.dma_semaphore, #tpu.memory_space<semaphore_mem>>)
          %dma_wait3A = tpu.memref_slice %arg4[%add3A_57] : memref<417792xf32, #tpu.memory_space<hbm>> -> memref<2048xf32, #tpu.memory_space<hbm>>
          %dma_wait3A_63 = tpu.memref_slice %arg4[%add3A_57] : memref<417792xf32, #tpu.memory_space<hbm>> -> memref<2048xf32, #tpu.memory_space<hbm>>
          tpu.wait_dma2 semaphore(%run_scoped3A : memref<!tpu.dma_semaphore, #tpu.memory_space<semaphore_mem>>) src(%arg9 : memref<2048xf32, #tpu.memory_space<vmem>>) dst(%dma_wait3A_63 : memref<2048xf32, #tpu.memory_space<hbm>>)
          tpu.yield
        }) : () -> ()
        %add3A_58 = arith.constant 139264 : i32
        %add3A_59 = arith.addi %mul3A_51, %add3A_58 : i32
        "tpu.region"() ({
          %run_scoped3A = tpu.sem_alloc : memref<!tpu.dma_semaphore, #tpu.memory_space<semaphore_mem>>
          %dma_start3A = tpu.memref_slice %arg4[%add3A_59] : memref<417792xf32, #tpu.memory_space<hbm>> -> memref<2048xf32, #tpu.memory_space<hbm>>
          %dma_start3A_62 = tpu.memref_slice %arg4[%add3A_59] : memref<417792xf32, #tpu.memory_space<hbm>> -> memref<2048xf32, #tpu.memory_space<hbm>>
          tpu.enqueue_dma source(%arg10 : memref<2048xf32, #tpu.memory_space<vmem>>) target(%dma_start3A_62 : memref<2048xf32, #tpu.memory_space<hbm>>) target_semaphore(%run_scoped3A : memref<!tpu.dma_semaphore, #tpu.memory_space<semaphore_mem>>)
          %dma_wait3A = tpu.memref_slice %arg4[%add3A_59] : memref<417792xf32, #tpu.memory_space<hbm>> -> memref<2048xf32, #tpu.memory_space<hbm>>
          %dma_wait3A_63 = tpu.memref_slice %arg4[%add3A_59] : memref<417792xf32, #tpu.memory_space<hbm>> -> memref<2048xf32, #tpu.memory_space<hbm>>
          tpu.wait_dma2 semaphore(%run_scoped3A : memref<!tpu.dma_semaphore, #tpu.memory_space<semaphore_mem>>) src(%arg10 : memref<2048xf32, #tpu.memory_space<vmem>>) dst(%dma_wait3A_63 : memref<2048xf32, #tpu.memory_space<hbm>>)
          tpu.yield
        }) : () -> ()
        %add3A_60 = arith.constant 174080 : i32
        %add3A_61 = arith.addi %mul3A_51, %add3A_60 : i32
        "tpu.region"() ({
          %run_scoped3A = tpu.sem_alloc : memref<!tpu.dma_semaphore, #tpu.memory_space<semaphore_mem>>
          %dma_start3A = tpu.memref_slice %arg4[%add3A_61] : memref<417792xf32, #tpu.memory_space<hbm>> -> memref<2048xf32, #tpu.memory_space<hbm>>
          %dma_start3A_62 = tpu.memref_slice %arg4[%add3A_61] : memref<417792xf32, #tpu.memory_space<hbm>> -> memref<2048xf32, #tpu.memory_space<hbm>>
          tpu.enqueue_dma source(%arg11 : memref<2048xf32, #tpu.memory_space<vmem>>) target(%dma_start3A_62 : memref<2048xf32, #tpu.memory_space<hbm>>) target_semaphore(%run_scoped3A : memref<!tpu.dma_semaphore, #tpu.memory_space<semaphore_mem>>)
          %dma_wait3A = tpu.memref_slice %arg4[%add3A_61] : memref<417792xf32, #tpu.memory_space<hbm>> -> memref<2048xf32, #tpu.memory_space<hbm>>
          %dma_wait3A_63 = tpu.memref_slice %arg4[%add3A_61] : memref<417792xf32, #tpu.memory_space<hbm>> -> memref<2048xf32, #tpu.memory_space<hbm>>
          tpu.wait_dma2 semaphore(%run_scoped3A : memref<!tpu.dma_semaphore, #tpu.memory_space<semaphore_mem>>) src(%arg11 : memref<2048xf32, #tpu.memory_space<vmem>>) dst(%dma_wait3A_63 : memref<2048xf32, #tpu.memory_space<hbm>>)
          tpu.yield
        }) : () -> ()
      } else {
      }
    }
    %scan3A_5 = arith.constant 2 : i32
    return
  }
}

#map = affine_map<(d0, d1) -> (0)>
module attributes {stable_mosaic.version = 14 : i64} {
  func.func @_sc_edge_body(%arg0: i32, %arg1: i32, %arg2: memref<12288xf32, #tpu.memory_space<hbm>>, %arg3: memref<69632xi32, #tpu.memory_space<hbm>>, %arg4: memref<417792xf32, #tpu.memory_space<hbm>>, %arg5: memref<2048xf32, #tpu.memory_space<vmem>>, %arg6: memref<2048xf32, #tpu.memory_space<vmem>>, %arg7: memref<2048xf32, #tpu.memory_space<vmem>>, %arg8: memref<2048xi32, #tpu.memory_space<vmem>>, %arg9: memref<2048xf32, #tpu.memory_space<vmem>>, %arg10: memref<2048xf32, #tpu.memory_space<vmem>>, %arg11: memref<2048xf32, #tpu.memory_space<vmem>>) attributes {dimension_semantics = [#tpu.dimension_semantics<core_parallel>, #tpu.dimension_semantics<subcore_parallel>], iteration_bounds = array<i64: 2, 16>, scalar_prefetch = 0 : i64, scratch_operands = 7 : i64, tpu.core_type = #tpu.core_type<sc_vector_subcore>, window_params = [{transform_indices = #map}, {transform_indices = #map}, {transform_indices = #map}]} {
    %mul3A = arith.constant 2 : i32
    %mul3A_0 = arith.muli %arg1, %mul3A : i32
    %add3A = arith.addi %mul3A_0, %arg0 : i32
    %scan3A = arith.constant 0 : i32
    %scan3A_1 = arith.constant 0 : i32
    %scan3A_2 = arith.constant 2 : i32
    %scan3A_3 = arith.addi %scan3A_1, %scan3A_2 : i32
    %scan3A_4 = arith.constant 1 : i32
    scf.for %scan3A_6 = %scan3A_1 to %scan3A_3 step %scan3A_4  : i32 {
      %mul3A_7 = arith.constant 32 : i32
      %mul3A_8 = arith.muli %mul3A_7, %scan3A_6 : i32
      %add3A_9 = arith.addi %add3A, %mul3A_8 : i32
      %lt3A = arith.constant 34 : i32
      %lt3A_10 = arith.cmpi slt, %add3A_9, %lt3A : i32
      %convert_element_type3A = arith.extui %lt3A_10 : i1 to i32
      %cond3A = arith.constant 0 : i32
      %cond3A_11 = arith.cmpi ne, %convert_element_type3A, %cond3A : i32
      scf.if %cond3A_11 {
        %jit3A = arith.constant 17 : i32
        %div3A = arith.divsi %add3A_9, %jit3A : i32
        %sign3A = arith.constant 0 : i32
        %sign3A_12 = arith.cmpi sgt, %add3A_9, %sign3A : i32
        %sign3A_13 = arith.extui %sign3A_12 : i1 to i32
        %sign3A_14 = arith.constant 0 : i32
        %sign3A_15 = arith.cmpi slt, %add3A_9, %sign3A_14 : i32
        %sign3A_16 = arith.extui %sign3A_15 : i1 to i32
        %sign3A_17 = arith.subi %sign3A_13, %sign3A_16 : i32
        %sign3A_18 = arith.constant 0 : i32
        %sign3A_19 = arith.cmpi sgt, %jit3A, %sign3A_18 : i32
        %sign3A_20 = arith.extui %sign3A_19 : i1 to i32
        %sign3A_21 = arith.constant 0 : i32
        %sign3A_22 = arith.cmpi slt, %jit3A, %sign3A_21 : i32
        %sign3A_23 = arith.extui %sign3A_22 : i1 to i32
        %sign3A_24 = arith.subi %sign3A_20, %sign3A_23 : i32
        %ne3A = arith.cmpi ne, %sign3A_17, %sign3A_24 : i32
        %rem3A = arith.remsi %add3A_9, %jit3A : i32
        %ne3A_25 = arith.constant 0 : i32
        %ne3A_26 = arith.cmpi ne, %rem3A, %ne3A_25 : i32
        %and3A = arith.andi %ne3A, %ne3A_26 : i1
        %sub3A = arith.constant 1 : i32
        %sub3A_27 = arith.subi %div3A, %sub3A : i32
        %select_n3A = arith.select %and3A, %sub3A_27, %div3A : i32
        %mul3A_28 = arith.constant 17 : i32
        %mul3A_29 = arith.muli %select_n3A, %mul3A_28 : i32
        %sub3A_30 = arith.subi %add3A_9, %mul3A_29 : i32
        %mul3A_31 = arith.constant 6144 : i32
        %mul3A_32 = arith.muli %select_n3A, %mul3A_31 : i32
        "tpu.region"() ({
          %run_scoped3A = tpu.sem_alloc : memref<!tpu.dma_semaphore, #tpu.memory_space<semaphore_mem>>
          %dma_start3A = tpu.memref_slice %arg2[%mul3A_32] : memref<12288xf32, #tpu.memory_space<hbm>> -> memref<2048xf32, #tpu.memory_space<hbm>>
          %dma_start3A_62 = tpu.memref_slice %arg2[%mul3A_32] : memref<12288xf32, #tpu.memory_space<hbm>> -> memref<2048xf32, #tpu.memory_space<hbm>>
          tpu.enqueue_dma source(%dma_start3A_62 : memref<2048xf32, #tpu.memory_space<hbm>>) target(%arg5 : memref<2048xf32, #tpu.memory_space<vmem>>) target_semaphore(%run_scoped3A : memref<!tpu.dma_semaphore, #tpu.memory_space<semaphore_mem>>)
          %dma_wait3A = tpu.memref_slice %arg2[%mul3A_32] : memref<12288xf32, #tpu.memory_space<hbm>> -> memref<2048xf32, #tpu.memory_space<hbm>>
          %dma_wait3A_63 = tpu.memref_slice %arg2[%mul3A_32] : memref<12288xf32, #tpu.memory_space<hbm>> -> memref<2048xf32, #tpu.memory_space<hbm>>
          tpu.wait_dma2 semaphore(%run_scoped3A : memref<!tpu.dma_semaphore, #tpu.memory_space<semaphore_mem>>) src(%dma_wait3A_63 : memref<2048xf32, #tpu.memory_space<hbm>>) dst(%arg5 : memref<2048xf32, #tpu.memory_space<vmem>>)
          tpu.yield
        }) : () -> ()
        %add3A_33 = arith.constant 2048 : i32
        %add3A_34 = arith.addi %mul3A_32, %add3A_33 : i32
        "tpu.region"() ({
          %run_scoped3A = tpu.sem_alloc : memref<!tpu.dma_semaphore, #tpu.memory_space<semaphore_mem>>
          %dma_start3A = tpu.memref_slice %arg2[%add3A_34] : memref<12288xf32, #tpu.memory_space<hbm>> -> memref<2048xf32, #tpu.memory_space<hbm>>
          %dma_start3A_62 = tpu.memref_slice %arg2[%add3A_34] : memref<12288xf32, #tpu.memory_space<hbm>> -> memref<2048xf32, #tpu.memory_space<hbm>>
          tpu.enqueue_dma source(%dma_start3A_62 : memref<2048xf32, #tpu.memory_space<hbm>>) target(%arg6 : memref<2048xf32, #tpu.memory_space<vmem>>) target_semaphore(%run_scoped3A : memref<!tpu.dma_semaphore, #tpu.memory_space<semaphore_mem>>)
          %dma_wait3A = tpu.memref_slice %arg2[%add3A_34] : memref<12288xf32, #tpu.memory_space<hbm>> -> memref<2048xf32, #tpu.memory_space<hbm>>
          %dma_wait3A_63 = tpu.memref_slice %arg2[%add3A_34] : memref<12288xf32, #tpu.memory_space<hbm>> -> memref<2048xf32, #tpu.memory_space<hbm>>
          tpu.wait_dma2 semaphore(%run_scoped3A : memref<!tpu.dma_semaphore, #tpu.memory_space<semaphore_mem>>) src(%dma_wait3A_63 : memref<2048xf32, #tpu.memory_space<hbm>>) dst(%arg6 : memref<2048xf32, #tpu.memory_space<vmem>>)
          tpu.yield
        }) : () -> ()
        %add3A_35 = arith.constant 4096 : i32
        %add3A_36 = arith.addi %mul3A_32, %add3A_35 : i32
        "tpu.region"() ({
          %run_scoped3A = tpu.sem_alloc : memref<!tpu.dma_semaphore, #tpu.memory_space<semaphore_mem>>
          %dma_start3A = tpu.memref_slice %arg2[%add3A_36] : memref<12288xf32, #tpu.memory_space<hbm>> -> memref<2048xf32, #tpu.memory_space<hbm>>
          %dma_start3A_62 = tpu.memref_slice %arg2[%add3A_36] : memref<12288xf32, #tpu.memory_space<hbm>> -> memref<2048xf32, #tpu.memory_space<hbm>>
          tpu.enqueue_dma source(%dma_start3A_62 : memref<2048xf32, #tpu.memory_space<hbm>>) target(%arg7 : memref<2048xf32, #tpu.memory_space<vmem>>) target_semaphore(%run_scoped3A : memref<!tpu.dma_semaphore, #tpu.memory_space<semaphore_mem>>)
          %dma_wait3A = tpu.memref_slice %arg2[%add3A_36] : memref<12288xf32, #tpu.memory_space<hbm>> -> memref<2048xf32, #tpu.memory_space<hbm>>
          %dma_wait3A_63 = tpu.memref_slice %arg2[%add3A_36] : memref<12288xf32, #tpu.memory_space<hbm>> -> memref<2048xf32, #tpu.memory_space<hbm>>
          tpu.wait_dma2 semaphore(%run_scoped3A : memref<!tpu.dma_semaphore, #tpu.memory_space<semaphore_mem>>) src(%dma_wait3A_63 : memref<2048xf32, #tpu.memory_space<hbm>>) dst(%arg7 : memref<2048xf32, #tpu.memory_space<vmem>>)
          tpu.yield
        }) : () -> ()
        %mul3A_37 = arith.constant 2048 : i32
        %mul3A_38 = arith.muli %add3A_9, %mul3A_37 : i32
        "tpu.region"() ({
          %run_scoped3A = tpu.sem_alloc : memref<!tpu.dma_semaphore, #tpu.memory_space<semaphore_mem>>
          %dma_start3A = tpu.memref_slice %arg3[%mul3A_38] : memref<69632xi32, #tpu.memory_space<hbm>> -> memref<2048xi32, #tpu.memory_space<hbm>>
          %dma_start3A_62 = tpu.memref_slice %arg3[%mul3A_38] : memref<69632xi32, #tpu.memory_space<hbm>> -> memref<2048xi32, #tpu.memory_space<hbm>>
          tpu.enqueue_dma source(%dma_start3A_62 : memref<2048xi32, #tpu.memory_space<hbm>>) target(%arg8 : memref<2048xi32, #tpu.memory_space<vmem>>) target_semaphore(%run_scoped3A : memref<!tpu.dma_semaphore, #tpu.memory_space<semaphore_mem>>)
          %dma_wait3A = tpu.memref_slice %arg3[%mul3A_38] : memref<69632xi32, #tpu.memory_space<hbm>> -> memref<2048xi32, #tpu.memory_space<hbm>>
          %dma_wait3A_63 = tpu.memref_slice %arg3[%mul3A_38] : memref<69632xi32, #tpu.memory_space<hbm>> -> memref<2048xi32, #tpu.memory_space<hbm>>
          tpu.wait_dma2 semaphore(%run_scoped3A : memref<!tpu.dma_semaphore, #tpu.memory_space<semaphore_mem>>) src(%dma_wait3A_63 : memref<2048xi32, #tpu.memory_space<hbm>>) dst(%arg8 : memref<2048xi32, #tpu.memory_space<vmem>>)
          tpu.yield
        }) : () -> ()
        %scan3A_39 = arith.constant 0 : i32
        %scan3A_40 = arith.constant 0 : i32
        %scan3A_41 = arith.constant 128 : i32
        %scan3A_42 = arith.addi %scan3A_40, %scan3A_41 : i32
        %scan3A_43 = arith.constant 1 : i32
        scf.for %scan3A_62 = %scan3A_40 to %scan3A_42 step %scan3A_43  : i32 {
          %mul3A_63 = arith.constant 16 : i32
          %mul3A_64 = arith.muli %scan3A_62, %mul3A_63 : i32
          %get3A = arith.index_cast %mul3A_64 : i32 to index
          %get3A_65 = tpu.vector_load %arg8[%get3A] {strides = array<i32>} : memref<2048xi32, #tpu.memory_space<vmem>>, vector<16xi32>,
          %gather3A = tpu.vector_load_idx %arg5[%get3A_65] : memref<2048xf32, #tpu.memory_space<vmem>>[vector<16xi32>], vector<16xf32>,
          %get3A_66 = arith.index_cast %mul3A_64 : i32 to index
          %get3A_67 = tpu.vector_load %arg5[%get3A_66] {strides = array<i32>} : memref<2048xf32, #tpu.memory_space<vmem>>, vector<16xf32>,
          %sub3A_68 = arith.subf %gather3A, %get3A_67 : vector<16xf32>
          %swap3A = arith.index_cast %mul3A_64 : i32 to index
          %swap3A_69 = tpu.vector_load %arg9[%swap3A] {strides = array<i32>} : memref<2048xf32, #tpu.memory_space<vmem>>, vector<16xf32>,
          tpu.vector_store %arg9[%swap3A], %sub3A_68 {strides = array<i32>} : memref<2048xf32, #tpu.memory_space<vmem>>, vector<16xf32>,
          %gather3A_70 = tpu.vector_load_idx %arg6[%get3A_65] : memref<2048xf32, #tpu.memory_space<vmem>>[vector<16xi32>], vector<16xf32>,
          %get3A_71 = arith.index_cast %mul3A_64 : i32 to index
          %get3A_72 = tpu.vector_load %arg6[%get3A_71] {strides = array<i32>} : memref<2048xf32, #tpu.memory_space<vmem>>, vector<16xf32>,
          %sub3A_73 = arith.subf %gather3A_70, %get3A_72 : vector<16xf32>
          %swap3A_74 = arith.index_cast %mul3A_64 : i32 to index
          %swap3A_75 = tpu.vector_load %arg10[%swap3A_74] {strides = array<i32>} : memref<2048xf32, #tpu.memory_space<vmem>>, vector<16xf32>,
          tpu.vector_store %arg10[%swap3A_74], %sub3A_73 {strides = array<i32>} : memref<2048xf32, #tpu.memory_space<vmem>>, vector<16xf32>,
          %gather3A_76 = tpu.vector_load_idx %arg7[%get3A_65] : memref<2048xf32, #tpu.memory_space<vmem>>[vector<16xi32>], vector<16xf32>,
          %get3A_77 = arith.index_cast %mul3A_64 : i32 to index
          %get3A_78 = tpu.vector_load %arg7[%get3A_77] {strides = array<i32>} : memref<2048xf32, #tpu.memory_space<vmem>>, vector<16xf32>,
          %sub3A_79 = arith.subf %gather3A_76, %get3A_78 : vector<16xf32>
          %swap3A_80 = arith.index_cast %mul3A_64 : i32 to index
          %swap3A_81 = tpu.vector_load %arg11[%swap3A_80] {strides = array<i32>} : memref<2048xf32, #tpu.memory_space<vmem>>, vector<16xf32>,
          tpu.vector_store %arg11[%swap3A_80], %sub3A_79 {strides = array<i32>} : memref<2048xf32, #tpu.memory_space<vmem>>, vector<16xf32>,
        }
        %scan3A_44 = arith.constant 128 : i32
        %mul3A_45 = arith.constant 6 : i32
        %mul3A_46 = arith.muli %select_n3A, %mul3A_45 : i32
        %mul3A_47 = arith.constant 17 : i32
        %mul3A_48 = arith.muli %mul3A_46, %mul3A_47 : i32
        %add3A_49 = arith.addi %mul3A_48, %sub3A_30 : i32
        %mul3A_50 = arith.constant 2048 : i32
        %mul3A_51 = arith.muli %add3A_49, %mul3A_50 : i32
        "tpu.region"() ({
          %run_scoped3A = tpu.sem_alloc : memref<!tpu.dma_semaphore, #tpu.memory_space<semaphore_mem>>
          %dma_start3A = tpu.memref_slice %arg4[%mul3A_51] : memref<417792xf32, #tpu.memory_space<hbm>> -> memref<2048xf32, #tpu.memory_space<hbm>>
          %dma_start3A_62 = tpu.memref_slice %arg4[%mul3A_51] : memref<417792xf32, #tpu.memory_space<hbm>> -> memref<2048xf32, #tpu.memory_space<hbm>>
          tpu.enqueue_dma source(%arg5 : memref<2048xf32, #tpu.memory_space<vmem>>) target(%dma_start3A_62 : memref<2048xf32, #tpu.memory_space<hbm>>) target_semaphore(%run_scoped3A : memref<!tpu.dma_semaphore, #tpu.memory_space<semaphore_mem>>)
          %dma_wait3A = tpu.memref_slice %arg4[%mul3A_51] : memref<417792xf32, #tpu.memory_space<hbm>> -> memref<2048xf32, #tpu.memory_space<hbm>>
          %dma_wait3A_63 = tpu.memref_slice %arg4[%mul3A_51] : memref<417792xf32, #tpu.memory_space<hbm>> -> memref<2048xf32, #tpu.memory_space<hbm>>
          tpu.wait_dma2 semaphore(%run_scoped3A : memref<!tpu.dma_semaphore, #tpu.memory_space<semaphore_mem>>) src(%arg5 : memref<2048xf32, #tpu.memory_space<vmem>>) dst(%dma_wait3A_63 : memref<2048xf32, #tpu.memory_space<hbm>>)
          tpu.yield
        }) : () -> ()
        %add3A_52 = arith.constant 34816 : i32
        %add3A_53 = arith.addi %mul3A_51, %add3A_52 : i32
        "tpu.region"() ({
          %run_scoped3A = tpu.sem_alloc : memref<!tpu.dma_semaphore, #tpu.memory_space<semaphore_mem>>
          %dma_start3A = tpu.memref_slice %arg4[%add3A_53] : memref<417792xf32, #tpu.memory_space<hbm>> -> memref<2048xf32, #tpu.memory_space<hbm>>
          %dma_start3A_62 = tpu.memref_slice %arg4[%add3A_53] : memref<417792xf32, #tpu.memory_space<hbm>> -> memref<2048xf32, #tpu.memory_space<hbm>>
          tpu.enqueue_dma source(%arg6 : memref<2048xf32, #tpu.memory_space<vmem>>) target(%dma_start3A_62 : memref<2048xf32, #tpu.memory_space<hbm>>) target_semaphore(%run_scoped3A : memref<!tpu.dma_semaphore, #tpu.memory_space<semaphore_mem>>)
          %dma_wait3A = tpu.memref_slice %arg4[%add3A_53] : memref<417792xf32, #tpu.memory_space<hbm>> -> memref<2048xf32, #tpu.memory_space<hbm>>
          %dma_wait3A_63 = tpu.memref_slice %arg4[%add3A_53] : memref<417792xf32, #tpu.memory_space<hbm>> -> memref<2048xf32, #tpu.memory_space<hbm>>
          tpu.wait_dma2 semaphore(%run_scoped3A : memref<!tpu.dma_semaphore, #tpu.memory_space<semaphore_mem>>) src(%arg6 : memref<2048xf32, #tpu.memory_space<vmem>>) dst(%dma_wait3A_63 : memref<2048xf32, #tpu.memory_space<hbm>>)
          tpu.yield
        }) : () -> ()
        %add3A_54 = arith.constant 69632 : i32
        %add3A_55 = arith.addi %mul3A_51, %add3A_54 : i32
        "tpu.region"() ({
          %run_scoped3A = tpu.sem_alloc : memref<!tpu.dma_semaphore, #tpu.memory_space<semaphore_mem>>
          %dma_start3A = tpu.memref_slice %arg4[%add3A_55] : memref<417792xf32, #tpu.memory_space<hbm>> -> memref<2048xf32, #tpu.memory_space<hbm>>
          %dma_start3A_62 = tpu.memref_slice %arg4[%add3A_55] : memref<417792xf32, #tpu.memory_space<hbm>> -> memref<2048xf32, #tpu.memory_space<hbm>>
          tpu.enqueue_dma source(%arg7 : memref<2048xf32, #tpu.memory_space<vmem>>) target(%dma_start3A_62 : memref<2048xf32, #tpu.memory_space<hbm>>) target_semaphore(%run_scoped3A : memref<!tpu.dma_semaphore, #tpu.memory_space<semaphore_mem>>)
          %dma_wait3A = tpu.memref_slice %arg4[%add3A_55] : memref<417792xf32, #tpu.memory_space<hbm>> -> memref<2048xf32, #tpu.memory_space<hbm>>
          %dma_wait3A_63 = tpu.memref_slice %arg4[%add3A_55] : memref<417792xf32, #tpu.memory_space<hbm>> -> memref<2048xf32, #tpu.memory_space<hbm>>
          tpu.wait_dma2 semaphore(%run_scoped3A : memref<!tpu.dma_semaphore, #tpu.memory_space<semaphore_mem>>) src(%arg7 : memref<2048xf32, #tpu.memory_space<vmem>>) dst(%dma_wait3A_63 : memref<2048xf32, #tpu.memory_space<hbm>>)
          tpu.yield
        }) : () -> ()
        %add3A_56 = arith.constant 104448 : i32
        %add3A_57 = arith.addi %mul3A_51, %add3A_56 : i32
        "tpu.region"() ({
          %run_scoped3A = tpu.sem_alloc : memref<!tpu.dma_semaphore, #tpu.memory_space<semaphore_mem>>
          %dma_start3A = tpu.memref_slice %arg4[%add3A_57] : memref<417792xf32, #tpu.memory_space<hbm>> -> memref<2048xf32, #tpu.memory_space<hbm>>
          %dma_start3A_62 = tpu.memref_slice %arg4[%add3A_57] : memref<417792xf32, #tpu.memory_space<hbm>> -> memref<2048xf32, #tpu.memory_space<hbm>>
          tpu.enqueue_dma source(%arg9 : memref<2048xf32, #tpu.memory_space<vmem>>) target(%dma_start3A_62 : memref<2048xf32, #tpu.memory_space<hbm>>) target_semaphore(%run_scoped3A : memref<!tpu.dma_semaphore, #tpu.memory_space<semaphore_mem>>)
          %dma_wait3A = tpu.memref_slice %arg4[%add3A_57] : memref<417792xf32, #tpu.memory_space<hbm>> -> memref<2048xf32, #tpu.memory_space<hbm>>
          %dma_wait3A_63 = tpu.memref_slice %arg4[%add3A_57] : memref<417792xf32, #tpu.memory_space<hbm>> -> memref<2048xf32, #tpu.memory_space<hbm>>
          tpu.wait_dma2 semaphore(%run_scoped3A : memref<!tpu.dma_semaphore, #tpu.memory_space<semaphore_mem>>) src(%arg9 : memref<2048xf32, #tpu.memory_space<vmem>>) dst(%dma_wait3A_63 : memref<2048xf32, #tpu.memory_space<hbm>>)
          tpu.yield
        }) : () -> ()
        %add3A_58 = arith.constant 139264 : i32
        %add3A_59 = arith.addi %mul3A_51, %add3A_58 : i32
        "tpu.region"() ({
          %run_scoped3A = tpu.sem_alloc : memref<!tpu.dma_semaphore, #tpu.memory_space<semaphore_mem>>
          %dma_start3A = tpu.memref_slice %arg4[%add3A_59] : memref<417792xf32, #tpu.memory_space<hbm>> -> memref<2048xf32, #tpu.memory_space<hbm>>
          %dma_start3A_62 = tpu.memref_slice %arg4[%add3A_59] : memref<417792xf32, #tpu.memory_space<hbm>> -> memref<2048xf32, #tpu.memory_space<hbm>>
          tpu.enqueue_dma source(%arg10 : memref<2048xf32, #tpu.memory_space<vmem>>) target(%dma_start3A_62 : memref<2048xf32, #tpu.memory_space<hbm>>) target_semaphore(%run_scoped3A : memref<!tpu.dma_semaphore, #tpu.memory_space<semaphore_mem>>)
          %dma_wait3A = tpu.memref_slice %arg4[%add3A_59] : memref<417792xf32, #tpu.memory_space<hbm>> -> memref<2048xf32, #tpu.memory_space<hbm>>
          %dma_wait3A_63 = tpu.memref_slice %arg4[%add3A_59] : memref<417792xf32, #tpu.memory_space<hbm>> -> memref<2048xf32, #tpu.memory_space<hbm>>
          tpu.wait_dma2 semaphore(%run_scoped3A : memref<!tpu.dma_semaphore, #tpu.memory_space<semaphore_mem>>) src(%arg10 : memref<2048xf32, #tpu.memory_space<vmem>>) dst(%dma_wait3A_63 : memref<2048xf32, #tpu.memory_space<hbm>>)
          tpu.yield
        }) : () -> ()
        %add3A_60 = arith.constant 174080 : i32
        %add3A_61 = arith.addi %mul3A_51, %add3A_60 : i32
        "tpu.region"() ({
          %run_scoped3A = tpu.sem_alloc : memref<!tpu.dma_semaphore, #tpu.memory_space<semaphore_mem>>
          %dma_start3A = tpu.memref_slice %arg4[%add3A_61] : memref<417792xf32, #tpu.memory_space<hbm>> -> memref<2048xf32, #tpu.memory_space<hbm>>
          %dma_start3A_62 = tpu.memref_slice %arg4[%add3A_61] : memref<417792xf32, #tpu.memory_space<hbm>> -> memref<2048xf32, #tpu.memory_space<hbm>>
          tpu.enqueue_dma source(%arg11 : memref<2048xf32, #tpu.memory_space<vmem>>) target(%dma_start3A_62 : memref<2048xf32, #tpu.memory_space<hbm>>) target_semaphore(%run_scoped3A : memref<!tpu.dma_semaphore, #tpu.memory_space<semaphore_mem>>)
          %dma_wait3A = tpu.memref_slice %arg4[%add3A_61] : memref<417792xf32, #tpu.memory_space<hbm>> -> memref<2048xf32, #tpu.memory_space<hbm>>
          %dma_wait3A_63 = tpu.memref_slice %arg4[%add3A_61] : memref<417792xf32, #tpu.memory_space<hbm>> -> memref<2048xf32, #tpu.memory_space<hbm>>
          tpu.wait_dma2 semaphore(%run_scoped3A : memref<!tpu.dma_semaphore, #tpu.memory_space<semaphore_mem>>) src(%arg11 : memref<2048xf32, #tpu.memory_space<vmem>>) dst(%dma_wait3A_63 : memref<2048xf32, #tpu.memory_space<hbm>>)
          tpu.yield
        }) : () -> ()
      } else {
      }
    }
    %scan3A_5 = arith.constant 2 : i32
    return
  }
}

#map = affine_map<(d0, d1) -> (0)>
module attributes {stable_mosaic.version = 14 : i64} {
  func.func @_sc_edge_body(%arg0: i32, %arg1: i32, %arg2: memref<12288xf32, #tpu.memory_space<hbm>>, %arg3: memref<69632xi32, #tpu.memory_space<hbm>>, %arg4: memref<417792xf32, #tpu.memory_space<hbm>>, %arg5: memref<2048xf32, #tpu.memory_space<vmem>>, %arg6: memref<2048xf32, #tpu.memory_space<vmem>>, %arg7: memref<2048xf32, #tpu.memory_space<vmem>>, %arg8: memref<2048xi32, #tpu.memory_space<vmem>>, %arg9: memref<2048xf32, #tpu.memory_space<vmem>>, %arg10: memref<2048xf32, #tpu.memory_space<vmem>>, %arg11: memref<2048xf32, #tpu.memory_space<vmem>>) attributes {dimension_semantics = [#tpu.dimension_semantics<core_parallel>, #tpu.dimension_semantics<subcore_parallel>], iteration_bounds = array<i64: 2, 16>, scalar_prefetch = 0 : i64, scratch_operands = 7 : i64, tpu.core_type = #tpu.core_type<sc_vector_subcore>, window_params = [{transform_indices = #map}, {transform_indices = #map}, {transform_indices = #map}]} {
    %mul3A = arith.constant 2 : i32
    %mul3A_0 = arith.muli %arg1, %mul3A : i32
    %add3A = arith.addi %mul3A_0, %arg0 : i32
    %scan3A = arith.constant 0 : i32
    %scan3A_1 = arith.constant 0 : i32
    %scan3A_2 = arith.constant 2 : i32
    %scan3A_3 = arith.addi %scan3A_1, %scan3A_2 : i32
    %scan3A_4 = arith.constant 1 : i32
    scf.for %scan3A_6 = %scan3A_1 to %scan3A_3 step %scan3A_4  : i32 {
      %mul3A_7 = arith.constant 32 : i32
      %mul3A_8 = arith.muli %mul3A_7, %scan3A_6 : i32
      %add3A_9 = arith.addi %add3A, %mul3A_8 : i32
      %lt3A = arith.constant 34 : i32
      %lt3A_10 = arith.cmpi slt, %add3A_9, %lt3A : i32
      %convert_element_type3A = arith.extui %lt3A_10 : i1 to i32
      %cond3A = arith.constant 0 : i32
      %cond3A_11 = arith.cmpi ne, %convert_element_type3A, %cond3A : i32
      scf.if %cond3A_11 {
        %jit3A = arith.constant 17 : i32
        %div3A = arith.divsi %add3A_9, %jit3A : i32
        %sign3A = arith.constant 0 : i32
        %sign3A_12 = arith.cmpi sgt, %add3A_9, %sign3A : i32
        %sign3A_13 = arith.extui %sign3A_12 : i1 to i32
        %sign3A_14 = arith.constant 0 : i32
        %sign3A_15 = arith.cmpi slt, %add3A_9, %sign3A_14 : i32
        %sign3A_16 = arith.extui %sign3A_15 : i1 to i32
        %sign3A_17 = arith.subi %sign3A_13, %sign3A_16 : i32
        %sign3A_18 = arith.constant 0 : i32
        %sign3A_19 = arith.cmpi sgt, %jit3A, %sign3A_18 : i32
        %sign3A_20 = arith.extui %sign3A_19 : i1 to i32
        %sign3A_21 = arith.constant 0 : i32
        %sign3A_22 = arith.cmpi slt, %jit3A, %sign3A_21 : i32
        %sign3A_23 = arith.extui %sign3A_22 : i1 to i32
        %sign3A_24 = arith.subi %sign3A_20, %sign3A_23 : i32
        %ne3A = arith.cmpi ne, %sign3A_17, %sign3A_24 : i32
        %rem3A = arith.remsi %add3A_9, %jit3A : i32
        %ne3A_25 = arith.constant 0 : i32
        %ne3A_26 = arith.cmpi ne, %rem3A, %ne3A_25 : i32
        %and3A = arith.andi %ne3A, %ne3A_26 : i1
        %sub3A = arith.constant 1 : i32
        %sub3A_27 = arith.subi %div3A, %sub3A : i32
        %select_n3A = arith.select %and3A, %sub3A_27, %div3A : i32
        %mul3A_28 = arith.constant 17 : i32
        %mul3A_29 = arith.muli %select_n3A, %mul3A_28 : i32
        %sub3A_30 = arith.subi %add3A_9, %mul3A_29 : i32
        %mul3A_31 = arith.constant 6144 : i32
        %mul3A_32 = arith.muli %select_n3A, %mul3A_31 : i32
        "tpu.region"() ({
          %run_scoped3A = tpu.sem_alloc : memref<!tpu.dma_semaphore, #tpu.memory_space<semaphore_mem>>
          %dma_start3A = tpu.memref_slice %arg2[%mul3A_32] : memref<12288xf32, #tpu.memory_space<hbm>> -> memref<2048xf32, #tpu.memory_space<hbm>>
          %dma_start3A_62 = tpu.memref_slice %arg2[%mul3A_32] : memref<12288xf32, #tpu.memory_space<hbm>> -> memref<2048xf32, #tpu.memory_space<hbm>>
          tpu.enqueue_dma source(%dma_start3A_62 : memref<2048xf32, #tpu.memory_space<hbm>>) target(%arg5 : memref<2048xf32, #tpu.memory_space<vmem>>) target_semaphore(%run_scoped3A : memref<!tpu.dma_semaphore, #tpu.memory_space<semaphore_mem>>)
          %dma_wait3A = tpu.memref_slice %arg2[%mul3A_32] : memref<12288xf32, #tpu.memory_space<hbm>> -> memref<2048xf32, #tpu.memory_space<hbm>>
          %dma_wait3A_63 = tpu.memref_slice %arg2[%mul3A_32] : memref<12288xf32, #tpu.memory_space<hbm>> -> memref<2048xf32, #tpu.memory_space<hbm>>
          tpu.wait_dma2 semaphore(%run_scoped3A : memref<!tpu.dma_semaphore, #tpu.memory_space<semaphore_mem>>) src(%dma_wait3A_63 : memref<2048xf32, #tpu.memory_space<hbm>>) dst(%arg5 : memref<2048xf32, #tpu.memory_space<vmem>>)
          tpu.yield
        }) : () -> ()
        %add3A_33 = arith.constant 2048 : i32
        %add3A_34 = arith.addi %mul3A_32, %add3A_33 : i32
        "tpu.region"() ({
          %run_scoped3A = tpu.sem_alloc : memref<!tpu.dma_semaphore, #tpu.memory_space<semaphore_mem>>
          %dma_start3A = tpu.memref_slice %arg2[%add3A_34] : memref<12288xf32, #tpu.memory_space<hbm>> -> memref<2048xf32, #tpu.memory_space<hbm>>
          %dma_start3A_62 = tpu.memref_slice %arg2[%add3A_34] : memref<12288xf32, #tpu.memory_space<hbm>> -> memref<2048xf32, #tpu.memory_space<hbm>>
          tpu.enqueue_dma source(%dma_start3A_62 : memref<2048xf32, #tpu.memory_space<hbm>>) target(%arg6 : memref<2048xf32, #tpu.memory_space<vmem>>) target_semaphore(%run_scoped3A : memref<!tpu.dma_semaphore, #tpu.memory_space<semaphore_mem>>)
          %dma_wait3A = tpu.memref_slice %arg2[%add3A_34] : memref<12288xf32, #tpu.memory_space<hbm>> -> memref<2048xf32, #tpu.memory_space<hbm>>
          %dma_wait3A_63 = tpu.memref_slice %arg2[%add3A_34] : memref<12288xf32, #tpu.memory_space<hbm>> -> memref<2048xf32, #tpu.memory_space<hbm>>
          tpu.wait_dma2 semaphore(%run_scoped3A : memref<!tpu.dma_semaphore, #tpu.memory_space<semaphore_mem>>) src(%dma_wait3A_63 : memref<2048xf32, #tpu.memory_space<hbm>>) dst(%arg6 : memref<2048xf32, #tpu.memory_space<vmem>>)
          tpu.yield
        }) : () -> ()
        %add3A_35 = arith.constant 4096 : i32
        %add3A_36 = arith.addi %mul3A_32, %add3A_35 : i32
        "tpu.region"() ({
          %run_scoped3A = tpu.sem_alloc : memref<!tpu.dma_semaphore, #tpu.memory_space<semaphore_mem>>
          %dma_start3A = tpu.memref_slice %arg2[%add3A_36] : memref<12288xf32, #tpu.memory_space<hbm>> -> memref<2048xf32, #tpu.memory_space<hbm>>
          %dma_start3A_62 = tpu.memref_slice %arg2[%add3A_36] : memref<12288xf32, #tpu.memory_space<hbm>> -> memref<2048xf32, #tpu.memory_space<hbm>>
          tpu.enqueue_dma source(%dma_start3A_62 : memref<2048xf32, #tpu.memory_space<hbm>>) target(%arg7 : memref<2048xf32, #tpu.memory_space<vmem>>) target_semaphore(%run_scoped3A : memref<!tpu.dma_semaphore, #tpu.memory_space<semaphore_mem>>)
          %dma_wait3A = tpu.memref_slice %arg2[%add3A_36] : memref<12288xf32, #tpu.memory_space<hbm>> -> memref<2048xf32, #tpu.memory_space<hbm>>
          %dma_wait3A_63 = tpu.memref_slice %arg2[%add3A_36] : memref<12288xf32, #tpu.memory_space<hbm>> -> memref<2048xf32, #tpu.memory_space<hbm>>
          tpu.wait_dma2 semaphore(%run_scoped3A : memref<!tpu.dma_semaphore, #tpu.memory_space<semaphore_mem>>) src(%dma_wait3A_63 : memref<2048xf32, #tpu.memory_space<hbm>>) dst(%arg7 : memref<2048xf32, #tpu.memory_space<vmem>>)
          tpu.yield
        }) : () -> ()
        %mul3A_37 = arith.constant 2048 : i32
        %mul3A_38 = arith.muli %add3A_9, %mul3A_37 : i32
        "tpu.region"() ({
          %run_scoped3A = tpu.sem_alloc : memref<!tpu.dma_semaphore, #tpu.memory_space<semaphore_mem>>
          %dma_start3A = tpu.memref_slice %arg3[%mul3A_38] : memref<69632xi32, #tpu.memory_space<hbm>> -> memref<2048xi32, #tpu.memory_space<hbm>>
          %dma_start3A_62 = tpu.memref_slice %arg3[%mul3A_38] : memref<69632xi32, #tpu.memory_space<hbm>> -> memref<2048xi32, #tpu.memory_space<hbm>>
          tpu.enqueue_dma source(%dma_start3A_62 : memref<2048xi32, #tpu.memory_space<hbm>>) target(%arg8 : memref<2048xi32, #tpu.memory_space<vmem>>) target_semaphore(%run_scoped3A : memref<!tpu.dma_semaphore, #tpu.memory_space<semaphore_mem>>)
          %dma_wait3A = tpu.memref_slice %arg3[%mul3A_38] : memref<69632xi32, #tpu.memory_space<hbm>> -> memref<2048xi32, #tpu.memory_space<hbm>>
          %dma_wait3A_63 = tpu.memref_slice %arg3[%mul3A_38] : memref<69632xi32, #tpu.memory_space<hbm>> -> memref<2048xi32, #tpu.memory_space<hbm>>
          tpu.wait_dma2 semaphore(%run_scoped3A : memref<!tpu.dma_semaphore, #tpu.memory_space<semaphore_mem>>) src(%dma_wait3A_63 : memref<2048xi32, #tpu.memory_space<hbm>>) dst(%arg8 : memref<2048xi32, #tpu.memory_space<vmem>>)
          tpu.yield
        }) : () -> ()
        %scan3A_39 = arith.constant 0 : i32
        %scan3A_40 = arith.constant 0 : i32
        %scan3A_41 = arith.constant 128 : i32
        %scan3A_42 = arith.addi %scan3A_40, %scan3A_41 : i32
        %scan3A_43 = arith.constant 1 : i32
        scf.for %scan3A_62 = %scan3A_40 to %scan3A_42 step %scan3A_43  : i32 {
          %mul3A_63 = arith.constant 16 : i32
          %mul3A_64 = arith.muli %scan3A_62, %mul3A_63 : i32
          %get3A = arith.index_cast %mul3A_64 : i32 to index
          %get3A_65 = tpu.vector_load %arg8[%get3A] {strides = array<i32>} : memref<2048xi32, #tpu.memory_space<vmem>>, vector<16xi32>,
          %gather3A = tpu.vector_load_idx %arg5[%get3A_65] : memref<2048xf32, #tpu.memory_space<vmem>>[vector<16xi32>], vector<16xf32>,
          %get3A_66 = arith.index_cast %mul3A_64 : i32 to index
          %get3A_67 = tpu.vector_load %arg5[%get3A_66] {strides = array<i32>} : memref<2048xf32, #tpu.memory_space<vmem>>, vector<16xf32>,
          %sub3A_68 = arith.subf %gather3A, %get3A_67 : vector<16xf32>
          %swap3A = arith.index_cast %mul3A_64 : i32 to index
          %swap3A_69 = tpu.vector_load %arg9[%swap3A] {strides = array<i32>} : memref<2048xf32, #tpu.memory_space<vmem>>, vector<16xf32>,
          tpu.vector_store %arg9[%swap3A], %sub3A_68 {strides = array<i32>} : memref<2048xf32, #tpu.memory_space<vmem>>, vector<16xf32>,
          %gather3A_70 = tpu.vector_load_idx %arg6[%get3A_65] : memref<2048xf32, #tpu.memory_space<vmem>>[vector<16xi32>], vector<16xf32>,
          %get3A_71 = arith.index_cast %mul3A_64 : i32 to index
          %get3A_72 = tpu.vector_load %arg6[%get3A_71] {strides = array<i32>} : memref<2048xf32, #tpu.memory_space<vmem>>, vector<16xf32>,
          %sub3A_73 = arith.subf %gather3A_70, %get3A_72 : vector<16xf32>
          %swap3A_74 = arith.index_cast %mul3A_64 : i32 to index
          %swap3A_75 = tpu.vector_load %arg10[%swap3A_74] {strides = array<i32>} : memref<2048xf32, #tpu.memory_space<vmem>>, vector<16xf32>,
          tpu.vector_store %arg10[%swap3A_74], %sub3A_73 {strides = array<i32>} : memref<2048xf32, #tpu.memory_space<vmem>>, vector<16xf32>,
          %gather3A_76 = tpu.vector_load_idx %arg7[%get3A_65] : memref<2048xf32, #tpu.memory_space<vmem>>[vector<16xi32>], vector<16xf32>,
          %get3A_77 = arith.index_cast %mul3A_64 : i32 to index
          %get3A_78 = tpu.vector_load %arg7[%get3A_77] {strides = array<i32>} : memref<2048xf32, #tpu.memory_space<vmem>>, vector<16xf32>,
          %sub3A_79 = arith.subf %gather3A_76, %get3A_78 : vector<16xf32>
          %swap3A_80 = arith.index_cast %mul3A_64 : i32 to index
          %swap3A_81 = tpu.vector_load %arg11[%swap3A_80] {strides = array<i32>} : memref<2048xf32, #tpu.memory_space<vmem>>, vector<16xf32>,
          tpu.vector_store %arg11[%swap3A_80], %sub3A_79 {strides = array<i32>} : memref<2048xf32, #tpu.memory_space<vmem>>, vector<16xf32>,
        }
        %scan3A_44 = arith.constant 128 : i32
        %mul3A_45 = arith.constant 6 : i32
        %mul3A_46 = arith.muli %select_n3A, %mul3A_45 : i32
        %mul3A_47 = arith.constant 17 : i32
        %mul3A_48 = arith.muli %mul3A_46, %mul3A_47 : i32
        %add3A_49 = arith.addi %mul3A_48, %sub3A_30 : i32
        %mul3A_50 = arith.constant 2048 : i32
        %mul3A_51 = arith.muli %add3A_49, %mul3A_50 : i32
        "tpu.region"() ({
          %run_scoped3A = tpu.sem_alloc : memref<!tpu.dma_semaphore, #tpu.memory_space<semaphore_mem>>
          %dma_start3A = tpu.memref_slice %arg4[%mul3A_51] : memref<417792xf32, #tpu.memory_space<hbm>> -> memref<2048xf32, #tpu.memory_space<hbm>>
          %dma_start3A_62 = tpu.memref_slice %arg4[%mul3A_51] : memref<417792xf32, #tpu.memory_space<hbm>> -> memref<2048xf32, #tpu.memory_space<hbm>>
          tpu.enqueue_dma source(%arg5 : memref<2048xf32, #tpu.memory_space<vmem>>) target(%dma_start3A_62 : memref<2048xf32, #tpu.memory_space<hbm>>) target_semaphore(%run_scoped3A : memref<!tpu.dma_semaphore, #tpu.memory_space<semaphore_mem>>)
          %dma_wait3A = tpu.memref_slice %arg4[%mul3A_51] : memref<417792xf32, #tpu.memory_space<hbm>> -> memref<2048xf32, #tpu.memory_space<hbm>>
          %dma_wait3A_63 = tpu.memref_slice %arg4[%mul3A_51] : memref<417792xf32, #tpu.memory_space<hbm>> -> memref<2048xf32, #tpu.memory_space<hbm>>
          tpu.wait_dma2 semaphore(%run_scoped3A : memref<!tpu.dma_semaphore, #tpu.memory_space<semaphore_mem>>) src(%arg5 : memref<2048xf32, #tpu.memory_space<vmem>>) dst(%dma_wait3A_63 : memref<2048xf32, #tpu.memory_space<hbm>>)
          tpu.yield
        }) : () -> ()
        %add3A_52 = arith.constant 34816 : i32
        %add3A_53 = arith.addi %mul3A_51, %add3A_52 : i32
        "tpu.region"() ({
          %run_scoped3A = tpu.sem_alloc : memref<!tpu.dma_semaphore, #tpu.memory_space<semaphore_mem>>
          %dma_start3A = tpu.memref_slice %arg4[%add3A_53] : memref<417792xf32, #tpu.memory_space<hbm>> -> memref<2048xf32, #tpu.memory_space<hbm>>
          %dma_start3A_62 = tpu.memref_slice %arg4[%add3A_53] : memref<417792xf32, #tpu.memory_space<hbm>> -> memref<2048xf32, #tpu.memory_space<hbm>>
          tpu.enqueue_dma source(%arg6 : memref<2048xf32, #tpu.memory_space<vmem>>) target(%dma_start3A_62 : memref<2048xf32, #tpu.memory_space<hbm>>) target_semaphore(%run_scoped3A : memref<!tpu.dma_semaphore, #tpu.memory_space<semaphore_mem>>)
          %dma_wait3A = tpu.memref_slice %arg4[%add3A_53] : memref<417792xf32, #tpu.memory_space<hbm>> -> memref<2048xf32, #tpu.memory_space<hbm>>
          %dma_wait3A_63 = tpu.memref_slice %arg4[%add3A_53] : memref<417792xf32, #tpu.memory_space<hbm>> -> memref<2048xf32, #tpu.memory_space<hbm>>
          tpu.wait_dma2 semaphore(%run_scoped3A : memref<!tpu.dma_semaphore, #tpu.memory_space<semaphore_mem>>) src(%arg6 : memref<2048xf32, #tpu.memory_space<vmem>>) dst(%dma_wait3A_63 : memref<2048xf32, #tpu.memory_space<hbm>>)
          tpu.yield
        }) : () -> ()
        %add3A_54 = arith.constant 69632 : i32
        %add3A_55 = arith.addi %mul3A_51, %add3A_54 : i32
        "tpu.region"() ({
          %run_scoped3A = tpu.sem_alloc : memref<!tpu.dma_semaphore, #tpu.memory_space<semaphore_mem>>
          %dma_start3A = tpu.memref_slice %arg4[%add3A_55] : memref<417792xf32, #tpu.memory_space<hbm>> -> memref<2048xf32, #tpu.memory_space<hbm>>
          %dma_start3A_62 = tpu.memref_slice %arg4[%add3A_55] : memref<417792xf32, #tpu.memory_space<hbm>> -> memref<2048xf32, #tpu.memory_space<hbm>>
          tpu.enqueue_dma source(%arg7 : memref<2048xf32, #tpu.memory_space<vmem>>) target(%dma_start3A_62 : memref<2048xf32, #tpu.memory_space<hbm>>) target_semaphore(%run_scoped3A : memref<!tpu.dma_semaphore, #tpu.memory_space<semaphore_mem>>)
          %dma_wait3A = tpu.memref_slice %arg4[%add3A_55] : memref<417792xf32, #tpu.memory_space<hbm>> -> memref<2048xf32, #tpu.memory_space<hbm>>
          %dma_wait3A_63 = tpu.memref_slice %arg4[%add3A_55] : memref<417792xf32, #tpu.memory_space<hbm>> -> memref<2048xf32, #tpu.memory_space<hbm>>
          tpu.wait_dma2 semaphore(%run_scoped3A : memref<!tpu.dma_semaphore, #tpu.memory_space<semaphore_mem>>) src(%arg7 : memref<2048xf32, #tpu.memory_space<vmem>>) dst(%dma_wait3A_63 : memref<2048xf32, #tpu.memory_space<hbm>>)
          tpu.yield
        }) : () -> ()
        %add3A_56 = arith.constant 104448 : i32
        %add3A_57 = arith.addi %mul3A_51, %add3A_56 : i32
        "tpu.region"() ({
          %run_scoped3A = tpu.sem_alloc : memref<!tpu.dma_semaphore, #tpu.memory_space<semaphore_mem>>
          %dma_start3A = tpu.memref_slice %arg4[%add3A_57] : memref<417792xf32, #tpu.memory_space<hbm>> -> memref<2048xf32, #tpu.memory_space<hbm>>
          %dma_start3A_62 = tpu.memref_slice %arg4[%add3A_57] : memref<417792xf32, #tpu.memory_space<hbm>> -> memref<2048xf32, #tpu.memory_space<hbm>>
          tpu.enqueue_dma source(%arg9 : memref<2048xf32, #tpu.memory_space<vmem>>) target(%dma_start3A_62 : memref<2048xf32, #tpu.memory_space<hbm>>) target_semaphore(%run_scoped3A : memref<!tpu.dma_semaphore, #tpu.memory_space<semaphore_mem>>)
          %dma_wait3A = tpu.memref_slice %arg4[%add3A_57] : memref<417792xf32, #tpu.memory_space<hbm>> -> memref<2048xf32, #tpu.memory_space<hbm>>
          %dma_wait3A_63 = tpu.memref_slice %arg4[%add3A_57] : memref<417792xf32, #tpu.memory_space<hbm>> -> memref<2048xf32, #tpu.memory_space<hbm>>
          tpu.wait_dma2 semaphore(%run_scoped3A : memref<!tpu.dma_semaphore, #tpu.memory_space<semaphore_mem>>) src(%arg9 : memref<2048xf32, #tpu.memory_space<vmem>>) dst(%dma_wait3A_63 : memref<2048xf32, #tpu.memory_space<hbm>>)
          tpu.yield
        }) : () -> ()
        %add3A_58 = arith.constant 139264 : i32
        %add3A_59 = arith.addi %mul3A_51, %add3A_58 : i32
        "tpu.region"() ({
          %run_scoped3A = tpu.sem_alloc : memref<!tpu.dma_semaphore, #tpu.memory_space<semaphore_mem>>
          %dma_start3A = tpu.memref_slice %arg4[%add3A_59] : memref<417792xf32, #tpu.memory_space<hbm>> -> memref<2048xf32, #tpu.memory_space<hbm>>
          %dma_start3A_62 = tpu.memref_slice %arg4[%add3A_59] : memref<417792xf32, #tpu.memory_space<hbm>> -> memref<2048xf32, #tpu.memory_space<hbm>>
          tpu.enqueue_dma source(%arg10 : memref<2048xf32, #tpu.memory_space<vmem>>) target(%dma_start3A_62 : memref<2048xf32, #tpu.memory_space<hbm>>) target_semaphore(%run_scoped3A : memref<!tpu.dma_semaphore, #tpu.memory_space<semaphore_mem>>)
          %dma_wait3A = tpu.memref_slice %arg4[%add3A_59] : memref<417792xf32, #tpu.memory_space<hbm>> -> memref<2048xf32, #tpu.memory_space<hbm>>
          %dma_wait3A_63 = tpu.memref_slice %arg4[%add3A_59] : memref<417792xf32, #tpu.memory_space<hbm>> -> memref<2048xf32, #tpu.memory_space<hbm>>
          tpu.wait_dma2 semaphore(%run_scoped3A : memref<!tpu.dma_semaphore, #tpu.memory_space<semaphore_mem>>) src(%arg10 : memref<2048xf32, #tpu.memory_space<vmem>>) dst(%dma_wait3A_63 : memref<2048xf32, #tpu.memory_space<hbm>>)
          tpu.yield
        }) : () -> ()
        %add3A_60 = arith.constant 174080 : i32
        %add3A_61 = arith.addi %mul3A_51, %add3A_60 : i32
        "tpu.region"() ({
          %run_scoped3A = tpu.sem_alloc : memref<!tpu.dma_semaphore, #tpu.memory_space<semaphore_mem>>
          %dma_start3A = tpu.memref_slice %arg4[%add3A_61] : memref<417792xf32, #tpu.memory_space<hbm>> -> memref<2048xf32, #tpu.memory_space<hbm>>
          %dma_start3A_62 = tpu.memref_slice %arg4[%add3A_61] : memref<417792xf32, #tpu.memory_space<hbm>> -> memref<2048xf32, #tpu.memory_space<hbm>>
          tpu.enqueue_dma source(%arg11 : memref<2048xf32, #tpu.memory_space<vmem>>) target(%dma_start3A_62 : memref<2048xf32, #tpu.memory_space<hbm>>) target_semaphore(%run_scoped3A : memref<!tpu.dma_semaphore, #tpu.memory_space<semaphore_mem>>)
          %dma_wait3A = tpu.memref_slice %arg4[%add3A_61] : memref<417792xf32, #tpu.memory_space<hbm>> -> memref<2048xf32, #tpu.memory_space<hbm>>
          %dma_wait3A_63 = tpu.memref_slice %arg4[%add3A_61] : memref<417792xf32, #tpu.memory_space<hbm>> -> memref<2048xf32, #tpu.memory_space<hbm>>
          tpu.wait_dma2 semaphore(%run_scoped3A : memref<!tpu.dma_semaphore, #tpu.memory_space<semaphore_mem>>) src(%arg11 : memref<2048xf32, #tpu.memory_space<vmem>>) dst(%dma_wait3A_63 : memref<2048xf32, #tpu.memory_space<hbm>>)
          tpu.yield
        }) : () -> ()
      } else {
      }
    }
    %scan3A_5 = arith.constant 2 : i32
    return
  }
}

#map = affine_map<(d0, d1) -> (0)>
module attributes {stable_mosaic.version = 14 : i64} {
  func.func @_sc_edge_body(%arg0: i32, %arg1: i32, %arg2: memref<12288xf32, #tpu.memory_space<hbm>>, %arg3: memref<69632xi32, #tpu.memory_space<hbm>>, %arg4: memref<417792xf32, #tpu.memory_space<hbm>>, %arg5: memref<2048xf32, #tpu.memory_space<vmem>>, %arg6: memref<2048xf32, #tpu.memory_space<vmem>>, %arg7: memref<2048xf32, #tpu.memory_space<vmem>>, %arg8: memref<2048xi32, #tpu.memory_space<vmem>>, %arg9: memref<2048xf32, #tpu.memory_space<vmem>>, %arg10: memref<2048xf32, #tpu.memory_space<vmem>>, %arg11: memref<2048xf32, #tpu.memory_space<vmem>>) attributes {dimension_semantics = [#tpu.dimension_semantics<core_parallel>, #tpu.dimension_semantics<subcore_parallel>], iteration_bounds = array<i64: 2, 16>, scalar_prefetch = 0 : i64, scratch_operands = 7 : i64, tpu.core_type = #tpu.core_type<sc_vector_subcore>, window_params = [{transform_indices = #map}, {transform_indices = #map}, {transform_indices = #map}]} {
    %mul3A = arith.constant 2 : i32
    %mul3A_0 = arith.muli %arg1, %mul3A : i32
    %add3A = arith.addi %mul3A_0, %arg0 : i32
    %scan3A = arith.constant 0 : i32
    %scan3A_1 = arith.constant 0 : i32
    %scan3A_2 = arith.constant 2 : i32
    %scan3A_3 = arith.addi %scan3A_1, %scan3A_2 : i32
    %scan3A_4 = arith.constant 1 : i32
    scf.for %scan3A_6 = %scan3A_1 to %scan3A_3 step %scan3A_4  : i32 {
      %mul3A_7 = arith.constant 32 : i32
      %mul3A_8 = arith.muli %mul3A_7, %scan3A_6 : i32
      %add3A_9 = arith.addi %add3A, %mul3A_8 : i32
      %lt3A = arith.constant 34 : i32
      %lt3A_10 = arith.cmpi slt, %add3A_9, %lt3A : i32
      %convert_element_type3A = arith.extui %lt3A_10 : i1 to i32
      %cond3A = arith.constant 0 : i32
      %cond3A_11 = arith.cmpi ne, %convert_element_type3A, %cond3A : i32
      scf.if %cond3A_11 {
        %jit3A = arith.constant 17 : i32
        %div3A = arith.divsi %add3A_9, %jit3A : i32
        %sign3A = arith.constant 0 : i32
        %sign3A_12 = arith.cmpi sgt, %add3A_9, %sign3A : i32
        %sign3A_13 = arith.extui %sign3A_12 : i1 to i32
        %sign3A_14 = arith.constant 0 : i32
        %sign3A_15 = arith.cmpi slt, %add3A_9, %sign3A_14 : i32
        %sign3A_16 = arith.extui %sign3A_15 : i1 to i32
        %sign3A_17 = arith.subi %sign3A_13, %sign3A_16 : i32
        %sign3A_18 = arith.constant 0 : i32
        %sign3A_19 = arith.cmpi sgt, %jit3A, %sign3A_18 : i32
        %sign3A_20 = arith.extui %sign3A_19 : i1 to i32
        %sign3A_21 = arith.constant 0 : i32
        %sign3A_22 = arith.cmpi slt, %jit3A, %sign3A_21 : i32
        %sign3A_23 = arith.extui %sign3A_22 : i1 to i32
        %sign3A_24 = arith.subi %sign3A_20, %sign3A_23 : i32
        %ne3A = arith.cmpi ne, %sign3A_17, %sign3A_24 : i32
        %rem3A = arith.remsi %add3A_9, %jit3A : i32
        %ne3A_25 = arith.constant 0 : i32
        %ne3A_26 = arith.cmpi ne, %rem3A, %ne3A_25 : i32
        %and3A = arith.andi %ne3A, %ne3A_26 : i1
        %sub3A = arith.constant 1 : i32
        %sub3A_27 = arith.subi %div3A, %sub3A : i32
        %select_n3A = arith.select %and3A, %sub3A_27, %div3A : i32
        %mul3A_28 = arith.constant 17 : i32
        %mul3A_29 = arith.muli %select_n3A, %mul3A_28 : i32
        %sub3A_30 = arith.subi %add3A_9, %mul3A_29 : i32
        %mul3A_31 = arith.constant 6144 : i32
        %mul3A_32 = arith.muli %select_n3A, %mul3A_31 : i32
        "tpu.region"() ({
          %run_scoped3A = tpu.sem_alloc : memref<!tpu.dma_semaphore, #tpu.memory_space<semaphore_mem>>
          %dma_start3A = tpu.memref_slice %arg2[%mul3A_32] : memref<12288xf32, #tpu.memory_space<hbm>> -> memref<2048xf32, #tpu.memory_space<hbm>>
          %dma_start3A_62 = tpu.memref_slice %arg2[%mul3A_32] : memref<12288xf32, #tpu.memory_space<hbm>> -> memref<2048xf32, #tpu.memory_space<hbm>>
          tpu.enqueue_dma source(%dma_start3A_62 : memref<2048xf32, #tpu.memory_space<hbm>>) target(%arg5 : memref<2048xf32, #tpu.memory_space<vmem>>) target_semaphore(%run_scoped3A : memref<!tpu.dma_semaphore, #tpu.memory_space<semaphore_mem>>)
          %dma_wait3A = tpu.memref_slice %arg2[%mul3A_32] : memref<12288xf32, #tpu.memory_space<hbm>> -> memref<2048xf32, #tpu.memory_space<hbm>>
          %dma_wait3A_63 = tpu.memref_slice %arg2[%mul3A_32] : memref<12288xf32, #tpu.memory_space<hbm>> -> memref<2048xf32, #tpu.memory_space<hbm>>
          tpu.wait_dma2 semaphore(%run_scoped3A : memref<!tpu.dma_semaphore, #tpu.memory_space<semaphore_mem>>) src(%dma_wait3A_63 : memref<2048xf32, #tpu.memory_space<hbm>>) dst(%arg5 : memref<2048xf32, #tpu.memory_space<vmem>>)
          tpu.yield
        }) : () -> ()
        %add3A_33 = arith.constant 2048 : i32
        %add3A_34 = arith.addi %mul3A_32, %add3A_33 : i32
        "tpu.region"() ({
          %run_scoped3A = tpu.sem_alloc : memref<!tpu.dma_semaphore, #tpu.memory_space<semaphore_mem>>
          %dma_start3A = tpu.memref_slice %arg2[%add3A_34] : memref<12288xf32, #tpu.memory_space<hbm>> -> memref<2048xf32, #tpu.memory_space<hbm>>
          %dma_start3A_62 = tpu.memref_slice %arg2[%add3A_34] : memref<12288xf32, #tpu.memory_space<hbm>> -> memref<2048xf32, #tpu.memory_space<hbm>>
          tpu.enqueue_dma source(%dma_start3A_62 : memref<2048xf32, #tpu.memory_space<hbm>>) target(%arg6 : memref<2048xf32, #tpu.memory_space<vmem>>) target_semaphore(%run_scoped3A : memref<!tpu.dma_semaphore, #tpu.memory_space<semaphore_mem>>)
          %dma_wait3A = tpu.memref_slice %arg2[%add3A_34] : memref<12288xf32, #tpu.memory_space<hbm>> -> memref<2048xf32, #tpu.memory_space<hbm>>
          %dma_wait3A_63 = tpu.memref_slice %arg2[%add3A_34] : memref<12288xf32, #tpu.memory_space<hbm>> -> memref<2048xf32, #tpu.memory_space<hbm>>
          tpu.wait_dma2 semaphore(%run_scoped3A : memref<!tpu.dma_semaphore, #tpu.memory_space<semaphore_mem>>) src(%dma_wait3A_63 : memref<2048xf32, #tpu.memory_space<hbm>>) dst(%arg6 : memref<2048xf32, #tpu.memory_space<vmem>>)
          tpu.yield
        }) : () -> ()
        %add3A_35 = arith.constant 4096 : i32
        %add3A_36 = arith.addi %mul3A_32, %add3A_35 : i32
        "tpu.region"() ({
          %run_scoped3A = tpu.sem_alloc : memref<!tpu.dma_semaphore, #tpu.memory_space<semaphore_mem>>
          %dma_start3A = tpu.memref_slice %arg2[%add3A_36] : memref<12288xf32, #tpu.memory_space<hbm>> -> memref<2048xf32, #tpu.memory_space<hbm>>
          %dma_start3A_62 = tpu.memref_slice %arg2[%add3A_36] : memref<12288xf32, #tpu.memory_space<hbm>> -> memref<2048xf32, #tpu.memory_space<hbm>>
          tpu.enqueue_dma source(%dma_start3A_62 : memref<2048xf32, #tpu.memory_space<hbm>>) target(%arg7 : memref<2048xf32, #tpu.memory_space<vmem>>) target_semaphore(%run_scoped3A : memref<!tpu.dma_semaphore, #tpu.memory_space<semaphore_mem>>)
          %dma_wait3A = tpu.memref_slice %arg2[%add3A_36] : memref<12288xf32, #tpu.memory_space<hbm>> -> memref<2048xf32, #tpu.memory_space<hbm>>
          %dma_wait3A_63 = tpu.memref_slice %arg2[%add3A_36] : memref<12288xf32, #tpu.memory_space<hbm>> -> memref<2048xf32, #tpu.memory_space<hbm>>
          tpu.wait_dma2 semaphore(%run_scoped3A : memref<!tpu.dma_semaphore, #tpu.memory_space<semaphore_mem>>) src(%dma_wait3A_63 : memref<2048xf32, #tpu.memory_space<hbm>>) dst(%arg7 : memref<2048xf32, #tpu.memory_space<vmem>>)
          tpu.yield
        }) : () -> ()
        %mul3A_37 = arith.constant 2048 : i32
        %mul3A_38 = arith.muli %add3A_9, %mul3A_37 : i32
        "tpu.region"() ({
          %run_scoped3A = tpu.sem_alloc : memref<!tpu.dma_semaphore, #tpu.memory_space<semaphore_mem>>
          %dma_start3A = tpu.memref_slice %arg3[%mul3A_38] : memref<69632xi32, #tpu.memory_space<hbm>> -> memref<2048xi32, #tpu.memory_space<hbm>>
          %dma_start3A_62 = tpu.memref_slice %arg3[%mul3A_38] : memref<69632xi32, #tpu.memory_space<hbm>> -> memref<2048xi32, #tpu.memory_space<hbm>>
          tpu.enqueue_dma source(%dma_start3A_62 : memref<2048xi32, #tpu.memory_space<hbm>>) target(%arg8 : memref<2048xi32, #tpu.memory_space<vmem>>) target_semaphore(%run_scoped3A : memref<!tpu.dma_semaphore, #tpu.memory_space<semaphore_mem>>)
          %dma_wait3A = tpu.memref_slice %arg3[%mul3A_38] : memref<69632xi32, #tpu.memory_space<hbm>> -> memref<2048xi32, #tpu.memory_space<hbm>>
          %dma_wait3A_63 = tpu.memref_slice %arg3[%mul3A_38] : memref<69632xi32, #tpu.memory_space<hbm>> -> memref<2048xi32, #tpu.memory_space<hbm>>
          tpu.wait_dma2 semaphore(%run_scoped3A : memref<!tpu.dma_semaphore, #tpu.memory_space<semaphore_mem>>) src(%dma_wait3A_63 : memref<2048xi32, #tpu.memory_space<hbm>>) dst(%arg8 : memref<2048xi32, #tpu.memory_space<vmem>>)
          tpu.yield
        }) : () -> ()
        %scan3A_39 = arith.constant 0 : i32
        %scan3A_40 = arith.constant 0 : i32
        %scan3A_41 = arith.constant 128 : i32
        %scan3A_42 = arith.addi %scan3A_40, %scan3A_41 : i32
        %scan3A_43 = arith.constant 1 : i32
        scf.for %scan3A_62 = %scan3A_40 to %scan3A_42 step %scan3A_43  : i32 {
          %mul3A_63 = arith.constant 16 : i32
          %mul3A_64 = arith.muli %scan3A_62, %mul3A_63 : i32
          %get3A = arith.index_cast %mul3A_64 : i32 to index
          %get3A_65 = tpu.vector_load %arg8[%get3A] {strides = array<i32>} : memref<2048xi32, #tpu.memory_space<vmem>>, vector<16xi32>,
          %gather3A = tpu.vector_load_idx %arg5[%get3A_65] : memref<2048xf32, #tpu.memory_space<vmem>>[vector<16xi32>], vector<16xf32>,
          %get3A_66 = arith.index_cast %mul3A_64 : i32 to index
          %get3A_67 = tpu.vector_load %arg5[%get3A_66] {strides = array<i32>} : memref<2048xf32, #tpu.memory_space<vmem>>, vector<16xf32>,
          %sub3A_68 = arith.subf %gather3A, %get3A_67 : vector<16xf32>
          %swap3A = arith.index_cast %mul3A_64 : i32 to index
          %swap3A_69 = tpu.vector_load %arg9[%swap3A] {strides = array<i32>} : memref<2048xf32, #tpu.memory_space<vmem>>, vector<16xf32>,
          tpu.vector_store %arg9[%swap3A], %sub3A_68 {strides = array<i32>} : memref<2048xf32, #tpu.memory_space<vmem>>, vector<16xf32>,
          %gather3A_70 = tpu.vector_load_idx %arg6[%get3A_65] : memref<2048xf32, #tpu.memory_space<vmem>>[vector<16xi32>], vector<16xf32>,
          %get3A_71 = arith.index_cast %mul3A_64 : i32 to index
          %get3A_72 = tpu.vector_load %arg6[%get3A_71] {strides = array<i32>} : memref<2048xf32, #tpu.memory_space<vmem>>, vector<16xf32>,
          %sub3A_73 = arith.subf %gather3A_70, %get3A_72 : vector<16xf32>
          %swap3A_74 = arith.index_cast %mul3A_64 : i32 to index
          %swap3A_75 = tpu.vector_load %arg10[%swap3A_74] {strides = array<i32>} : memref<2048xf32, #tpu.memory_space<vmem>>, vector<16xf32>,
          tpu.vector_store %arg10[%swap3A_74], %sub3A_73 {strides = array<i32>} : memref<2048xf32, #tpu.memory_space<vmem>>, vector<16xf32>,
          %gather3A_76 = tpu.vector_load_idx %arg7[%get3A_65] : memref<2048xf32, #tpu.memory_space<vmem>>[vector<16xi32>], vector<16xf32>,
          %get3A_77 = arith.index_cast %mul3A_64 : i32 to index
          %get3A_78 = tpu.vector_load %arg7[%get3A_77] {strides = array<i32>} : memref<2048xf32, #tpu.memory_space<vmem>>, vector<16xf32>,
          %sub3A_79 = arith.subf %gather3A_76, %get3A_78 : vector<16xf32>
          %swap3A_80 = arith.index_cast %mul3A_64 : i32 to index
          %swap3A_81 = tpu.vector_load %arg11[%swap3A_80] {strides = array<i32>} : memref<2048xf32, #tpu.memory_space<vmem>>, vector<16xf32>,
          tpu.vector_store %arg11[%swap3A_80], %sub3A_79 {strides = array<i32>} : memref<2048xf32, #tpu.memory_space<vmem>>, vector<16xf32>,
        }
        %scan3A_44 = arith.constant 128 : i32
        %mul3A_45 = arith.constant 6 : i32
        %mul3A_46 = arith.muli %select_n3A, %mul3A_45 : i32
        %mul3A_47 = arith.constant 17 : i32
        %mul3A_48 = arith.muli %mul3A_46, %mul3A_47 : i32
        %add3A_49 = arith.addi %mul3A_48, %sub3A_30 : i32
        %mul3A_50 = arith.constant 2048 : i32
        %mul3A_51 = arith.muli %add3A_49, %mul3A_50 : i32
        "tpu.region"() ({
          %run_scoped3A = tpu.sem_alloc : memref<!tpu.dma_semaphore, #tpu.memory_space<semaphore_mem>>
          %dma_start3A = tpu.memref_slice %arg4[%mul3A_51] : memref<417792xf32, #tpu.memory_space<hbm>> -> memref<2048xf32, #tpu.memory_space<hbm>>
          %dma_start3A_62 = tpu.memref_slice %arg4[%mul3A_51] : memref<417792xf32, #tpu.memory_space<hbm>> -> memref<2048xf32, #tpu.memory_space<hbm>>
          tpu.enqueue_dma source(%arg5 : memref<2048xf32, #tpu.memory_space<vmem>>) target(%dma_start3A_62 : memref<2048xf32, #tpu.memory_space<hbm>>) target_semaphore(%run_scoped3A : memref<!tpu.dma_semaphore, #tpu.memory_space<semaphore_mem>>)
          %dma_wait3A = tpu.memref_slice %arg4[%mul3A_51] : memref<417792xf32, #tpu.memory_space<hbm>> -> memref<2048xf32, #tpu.memory_space<hbm>>
          %dma_wait3A_63 = tpu.memref_slice %arg4[%mul3A_51] : memref<417792xf32, #tpu.memory_space<hbm>> -> memref<2048xf32, #tpu.memory_space<hbm>>
          tpu.wait_dma2 semaphore(%run_scoped3A : memref<!tpu.dma_semaphore, #tpu.memory_space<semaphore_mem>>) src(%arg5 : memref<2048xf32, #tpu.memory_space<vmem>>) dst(%dma_wait3A_63 : memref<2048xf32, #tpu.memory_space<hbm>>)
          tpu.yield
        }) : () -> ()
        %add3A_52 = arith.constant 34816 : i32
        %add3A_53 = arith.addi %mul3A_51, %add3A_52 : i32
        "tpu.region"() ({
          %run_scoped3A = tpu.sem_alloc : memref<!tpu.dma_semaphore, #tpu.memory_space<semaphore_mem>>
          %dma_start3A = tpu.memref_slice %arg4[%add3A_53] : memref<417792xf32, #tpu.memory_space<hbm>> -> memref<2048xf32, #tpu.memory_space<hbm>>
          %dma_start3A_62 = tpu.memref_slice %arg4[%add3A_53] : memref<417792xf32, #tpu.memory_space<hbm>> -> memref<2048xf32, #tpu.memory_space<hbm>>
          tpu.enqueue_dma source(%arg6 : memref<2048xf32, #tpu.memory_space<vmem>>) target(%dma_start3A_62 : memref<2048xf32, #tpu.memory_space<hbm>>) target_semaphore(%run_scoped3A : memref<!tpu.dma_semaphore, #tpu.memory_space<semaphore_mem>>)
          %dma_wait3A = tpu.memref_slice %arg4[%add3A_53] : memref<417792xf32, #tpu.memory_space<hbm>> -> memref<2048xf32, #tpu.memory_space<hbm>>
          %dma_wait3A_63 = tpu.memref_slice %arg4[%add3A_53] : memref<417792xf32, #tpu.memory_space<hbm>> -> memref<2048xf32, #tpu.memory_space<hbm>>
          tpu.wait_dma2 semaphore(%run_scoped3A : memref<!tpu.dma_semaphore, #tpu.memory_space<semaphore_mem>>) src(%arg6 : memref<2048xf32, #tpu.memory_space<vmem>>) dst(%dma_wait3A_63 : memref<2048xf32, #tpu.memory_space<hbm>>)
          tpu.yield
        }) : () -> ()
        %add3A_54 = arith.constant 69632 : i32
        %add3A_55 = arith.addi %mul3A_51, %add3A_54 : i32
        "tpu.region"() ({
          %run_scoped3A = tpu.sem_alloc : memref<!tpu.dma_semaphore, #tpu.memory_space<semaphore_mem>>
          %dma_start3A = tpu.memref_slice %arg4[%add3A_55] : memref<417792xf32, #tpu.memory_space<hbm>> -> memref<2048xf32, #tpu.memory_space<hbm>>
          %dma_start3A_62 = tpu.memref_slice %arg4[%add3A_55] : memref<417792xf32, #tpu.memory_space<hbm>> -> memref<2048xf32, #tpu.memory_space<hbm>>
          tpu.enqueue_dma source(%arg7 : memref<2048xf32, #tpu.memory_space<vmem>>) target(%dma_start3A_62 : memref<2048xf32, #tpu.memory_space<hbm>>) target_semaphore(%run_scoped3A : memref<!tpu.dma_semaphore, #tpu.memory_space<semaphore_mem>>)
          %dma_wait3A = tpu.memref_slice %arg4[%add3A_55] : memref<417792xf32, #tpu.memory_space<hbm>> -> memref<2048xf32, #tpu.memory_space<hbm>>
          %dma_wait3A_63 = tpu.memref_slice %arg4[%add3A_55] : memref<417792xf32, #tpu.memory_space<hbm>> -> memref<2048xf32, #tpu.memory_space<hbm>>
          tpu.wait_dma2 semaphore(%run_scoped3A : memref<!tpu.dma_semaphore, #tpu.memory_space<semaphore_mem>>) src(%arg7 : memref<2048xf32, #tpu.memory_space<vmem>>) dst(%dma_wait3A_63 : memref<2048xf32, #tpu.memory_space<hbm>>)
          tpu.yield
        }) : () -> ()
        %add3A_56 = arith.constant 104448 : i32
        %add3A_57 = arith.addi %mul3A_51, %add3A_56 : i32
        "tpu.region"() ({
          %run_scoped3A = tpu.sem_alloc : memref<!tpu.dma_semaphore, #tpu.memory_space<semaphore_mem>>
          %dma_start3A = tpu.memref_slice %arg4[%add3A_57] : memref<417792xf32, #tpu.memory_space<hbm>> -> memref<2048xf32, #tpu.memory_space<hbm>>
          %dma_start3A_62 = tpu.memref_slice %arg4[%add3A_57] : memref<417792xf32, #tpu.memory_space<hbm>> -> memref<2048xf32, #tpu.memory_space<hbm>>
          tpu.enqueue_dma source(%arg9 : memref<2048xf32, #tpu.memory_space<vmem>>) target(%dma_start3A_62 : memref<2048xf32, #tpu.memory_space<hbm>>) target_semaphore(%run_scoped3A : memref<!tpu.dma_semaphore, #tpu.memory_space<semaphore_mem>>)
          %dma_wait3A = tpu.memref_slice %arg4[%add3A_57] : memref<417792xf32, #tpu.memory_space<hbm>> -> memref<2048xf32, #tpu.memory_space<hbm>>
          %dma_wait3A_63 = tpu.memref_slice %arg4[%add3A_57] : memref<417792xf32, #tpu.memory_space<hbm>> -> memref<2048xf32, #tpu.memory_space<hbm>>
          tpu.wait_dma2 semaphore(%run_scoped3A : memref<!tpu.dma_semaphore, #tpu.memory_space<semaphore_mem>>) src(%arg9 : memref<2048xf32, #tpu.memory_space<vmem>>) dst(%dma_wait3A_63 : memref<2048xf32, #tpu.memory_space<hbm>>)
          tpu.yield
        }) : () -> ()
        %add3A_58 = arith.constant 139264 : i32
        %add3A_59 = arith.addi %mul3A_51, %add3A_58 : i32
        "tpu.region"() ({
          %run_scoped3A = tpu.sem_alloc : memref<!tpu.dma_semaphore, #tpu.memory_space<semaphore_mem>>
          %dma_start3A = tpu.memref_slice %arg4[%add3A_59] : memref<417792xf32, #tpu.memory_space<hbm>> -> memref<2048xf32, #tpu.memory_space<hbm>>
          %dma_start3A_62 = tpu.memref_slice %arg4[%add3A_59] : memref<417792xf32, #tpu.memory_space<hbm>> -> memref<2048xf32, #tpu.memory_space<hbm>>
          tpu.enqueue_dma source(%arg10 : memref<2048xf32, #tpu.memory_space<vmem>>) target(%dma_start3A_62 : memref<2048xf32, #tpu.memory_space<hbm>>) target_semaphore(%run_scoped3A : memref<!tpu.dma_semaphore, #tpu.memory_space<semaphore_mem>>)
          %dma_wait3A = tpu.memref_slice %arg4[%add3A_59] : memref<417792xf32, #tpu.memory_space<hbm>> -> memref<2048xf32, #tpu.memory_space<hbm>>
          %dma_wait3A_63 = tpu.memref_slice %arg4[%add3A_59] : memref<417792xf32, #tpu.memory_space<hbm>> -> memref<2048xf32, #tpu.memory_space<hbm>>
          tpu.wait_dma2 semaphore(%run_scoped3A : memref<!tpu.dma_semaphore, #tpu.memory_space<semaphore_mem>>) src(%arg10 : memref<2048xf32, #tpu.memory_space<vmem>>) dst(%dma_wait3A_63 : memref<2048xf32, #tpu.memory_space<hbm>>)
          tpu.yield
        }) : () -> ()
        %add3A_60 = arith.constant 174080 : i32
        %add3A_61 = arith.addi %mul3A_51, %add3A_60 : i32
        "tpu.region"() ({
          %run_scoped3A = tpu.sem_alloc : memref<!tpu.dma_semaphore, #tpu.memory_space<semaphore_mem>>
          %dma_start3A = tpu.memref_slice %arg4[%add3A_61] : memref<417792xf32, #tpu.memory_space<hbm>> -> memref<2048xf32, #tpu.memory_space<hbm>>
          %dma_start3A_62 = tpu.memref_slice %arg4[%add3A_61] : memref<417792xf32, #tpu.memory_space<hbm>> -> memref<2048xf32, #tpu.memory_space<hbm>>
          tpu.enqueue_dma source(%arg11 : memref<2048xf32, #tpu.memory_space<vmem>>) target(%dma_start3A_62 : memref<2048xf32, #tpu.memory_space<hbm>>) target_semaphore(%run_scoped3A : memref<!tpu.dma_semaphore, #tpu.memory_space<semaphore_mem>>)
          %dma_wait3A = tpu.memref_slice %arg4[%add3A_61] : memref<417792xf32, #tpu.memory_space<hbm>> -> memref<2048xf32, #tpu.memory_space<hbm>>
          %dma_wait3A_63 = tpu.memref_slice %arg4[%add3A_61] : memref<417792xf32, #tpu.memory_space<hbm>> -> memref<2048xf32, #tpu.memory_space<hbm>>
          tpu.wait_dma2 semaphore(%run_scoped3A : memref<!tpu.dma_semaphore, #tpu.memory_space<semaphore_mem>>) src(%arg11 : memref<2048xf32, #tpu.memory_space<vmem>>) dst(%dma_wait3A_63 : memref<2048xf32, #tpu.memory_space<hbm>>)
          tpu.yield
        }) : () -> ()
      } else {
      }
    }
    %scan3A_5 = arith.constant 2 : i32
    return
  }
}

module attributes {stable_mosaic.version = 14 : i64} {
  func.func @_knn_kernel(%arg0: i32, %arg1: i32, %arg2: memref<1x3x128xf32, #tpu.memory_space<vmem>>, %arg3: memref<1x3x2048xf32, #tpu.memory_space<vmem>>, %arg4: memref<1x17x128xi32, #tpu.memory_space<vmem>>) attributes {dimension_semantics = [#tpu.dimension_semantics<parallel>, #tpu.dimension_semantics<parallel>], iteration_bounds = array<i64: 2, 16>, scalar_prefetch = 0 : i64, scratch_operands = 0 : i64, tpu.core_type = #tpu.core_type<tc>, window_params = [{transform_indices = @transform_0, window_bounds = array<i64: 1, 3, 128>}, {transform_indices = @transform_1, window_bounds = array<i64: 1, 3, 2048>}, {transform_indices = @transform_2, window_bounds = array<i64: 1, 17, 128>}]} {
    %get3A = arith.constant 0 : index
    %get3A_0 = arith.constant 0 : index
    %get3A_1 = arith.constant 0 : index
    %get3A_2 = vector.load %arg2[%get3A, %get3A_0, %get3A_1] : memref<1x3x128xf32, #tpu.memory_space<vmem>>, vector<1x3x128xf32>
    %get3A_3 = vector.shape_cast %get3A_2 : vector<1x3x128xf32> to vector<3x128xf32>
    %get3A_4 = arith.constant 0 : index
    %get3A_5 = arith.constant 0 : index
    %get3A_6 = arith.constant 0 : index
    %get3A_7 = vector.load %arg3[%get3A_4, %get3A_5, %get3A_6] : memref<1x3x2048xf32, #tpu.memory_space<vmem>>, vector<1x3x2048xf32>
    %get3A_8 = vector.shape_cast %get3A_7 : vector<1x3x2048xf32> to vector<3x2048xf32>
    %mul3A = arith.mulf %get3A_3, %get3A_3 : vector<3x128xf32>
    %reduce_sum3A = arith.constant dense<0.000000e+00> : vector<128xf32>
    %reduce_sum3A_9 = vector.multi_reduction <add>, %mul3A, %reduce_sum3A [0] : vector<3x128xf32> to vector<128xf32>
    %mul3A_10 = arith.mulf %get3A_8, %get3A_8 : vector<3x2048xf32>
    %reduce_sum3A_11 = arith.constant dense<0.000000e+00> : vector<2048xf32>
    %reduce_sum3A_12 = vector.multi_reduction <add>, %mul3A_10, %reduce_sum3A_11 [0] : vector<3x2048xf32> to vector<2048xf32>
    %dot_general3A = arith.constant dense<0.000000e+00> : vector<128x2048xf32>
    %dot_general3A_13 = tpu.matmul %get3A_3, %get3A_8, %dot_general3A {dimension_numbers = #tpu.dot_dimension_numbers<[0], [0], [1], [1], [0, 1, 1, 1], [], []>, transpose_lhs_hint = false} : vector<3x128xf32>, vector<3x2048xf32>, vector<128x2048xf32> -> vector<128x2048xf32>
    %broadcast_in_dim3A = vector.shape_cast %reduce_sum3A_9 : vector<128xf32> to vector<128x1xf32>
    %broadcast_in_dim3A_14 = vector.shape_cast %reduce_sum3A_12 : vector<2048xf32> to vector<1x2048xf32>
    %add3A = vector.broadcast %broadcast_in_dim3A : vector<128x1xf32> to vector<128x2048xf32>
    %add3A_15 = vector.broadcast %broadcast_in_dim3A_14 : vector<1x2048xf32> to vector<128x2048xf32>
    %add3A_16 = arith.addf %add3A, %add3A_15 : vector<128x2048xf32>
    %mul3A_17 = arith.constant 2.000000e+00 : f32
    %mul3A_18 = vector.broadcast %mul3A_17 : f32 to vector<128x2048xf32>
    %mul3A_19 = arith.mulf %mul3A_18, %dot_general3A_13 : vector<128x2048xf32>
    %sub3A = arith.subf %add3A_16, %mul3A_19 : vector<128x2048xf32>
    %iota3A = tpu.iota {dimensions = array<i32: 1>} : vector<128x2048xi32>
    %argmin3A = tpu.reduce_index %sub3A {axis = 1 : i32, kind = #tpu.reduction_kind<arg_min>} : vector<128x2048xf32> -> vector<128xi32>
    %broadcast_in_dim3A_20 = vector.shape_cast %argmin3A : vector<128xi32> to vector<128x1xi32>
    %eq3A = vector.broadcast %broadcast_in_dim3A_20 : vector<128x1xi32> to vector<128x2048xi32>
    %eq3A_21 = arith.cmpi eq, %iota3A, %eq3A : vector<128x2048xi32>
    %jit3A = arith.constant 0x7F800000 : f32
    %broadcast_in_dim3A_22 = vector.broadcast %jit3A : f32 to vector<128x2048xf32>
    %select_n3A = arith.select %eq3A_21, %broadcast_in_dim3A_22, %sub3A : vector<128x2048xi1>, vector<128x2048xf32>
    %swap3A = arith.constant 0 : index
    %swap3A_23 = arith.constant 0 : index
    %swap3A_24 = arith.constant 0 : index
    %swap3A_25 = vector.load %arg4[%swap3A, %swap3A_23, %swap3A_24] : memref<1x17x128xi32, #tpu.memory_space<vmem>>, vector<1x1x128xi32>
    %swap3A_26 = vector.shape_cast %swap3A_25 : vector<1x1x128xi32> to vector<128xi32>
    %swap3A_27 = vector.shape_cast %argmin3A : vector<128xi32> to vector<1x1x128xi32>
    tpu.vector_store %arg4[%swap3A, %swap3A_23, %swap3A_24], %swap3A_27 {strides = array<i32>} : memref<1x17x128xi32, #tpu.memory_space<vmem>>, vector<1x1x128xi32>,
    %argmin3A_28 = tpu.reduce_index %select_n3A {axis = 1 : i32, kind = #tpu.reduction_kind<arg_min>} : vector<128x2048xf32> -> vector<128xi32>
    %broadcast_in_dim3A_29 = vector.shape_cast %argmin3A_28 : vector<128xi32> to vector<128x1xi32>
    %eq3A_30 = vector.broadcast %broadcast_in_dim3A_29 : vector<128x1xi32> to vector<128x2048xi32>
    %eq3A_31 = arith.cmpi eq, %iota3A, %eq3A_30 : vector<128x2048xi32>
    %jit3A_32 = arith.constant 0x7F800000 : f32
    %broadcast_in_dim3A_33 = vector.broadcast %jit3A_32 : f32 to vector<128x2048xf32>
    %select_n3A_34 = arith.select %eq3A_31, %broadcast_in_dim3A_33, %select_n3A : vector<128x2048xi1>, vector<128x2048xf32>
    %swap3A_35 = arith.constant 0 : index
    %swap3A_36 = arith.constant 1 : index
    %swap3A_37 = arith.constant 0 : index
    %swap3A_38 = vector.load %arg4[%swap3A_35, %swap3A_36, %swap3A_37] : memref<1x17x128xi32, #tpu.memory_space<vmem>>, vector<1x1x128xi32>
    %swap3A_39 = vector.shape_cast %swap3A_38 : vector<1x1x128xi32> to vector<128xi32>
    %swap3A_40 = vector.shape_cast %argmin3A_28 : vector<128xi32> to vector<1x1x128xi32>
    tpu.vector_store %arg4[%swap3A_35, %swap3A_36, %swap3A_37], %swap3A_40 {strides = array<i32>} : memref<1x17x128xi32, #tpu.memory_space<vmem>>, vector<1x1x128xi32>,
    %argmin3A_41 = tpu.reduce_index %select_n3A_34 {axis = 1 : i32, kind = #tpu.reduction_kind<arg_min>} : vector<128x2048xf32> -> vector<128xi32>
    %broadcast_in_dim3A_42 = vector.shape_cast %argmin3A_41 : vector<128xi32> to vector<128x1xi32>
    %eq3A_43 = vector.broadcast %broadcast_in_dim3A_42 : vector<128x1xi32> to vector<128x2048xi32>
    %eq3A_44 = arith.cmpi eq, %iota3A, %eq3A_43 : vector<128x2048xi32>
    %jit3A_45 = arith.constant 0x7F800000 : f32
    %broadcast_in_dim3A_46 = vector.broadcast %jit3A_45 : f32 to vector<128x2048xf32>
    %select_n3A_47 = arith.select %eq3A_44, %broadcast_in_dim3A_46, %select_n3A_34 : vector<128x2048xi1>, vector<128x2048xf32>
    %swap3A_48 = arith.constant 0 : index
    %swap3A_49 = arith.constant 2 : index
    %swap3A_50 = arith.constant 0 : index
    %swap3A_51 = vector.load %arg4[%swap3A_48, %swap3A_49, %swap3A_50] : memref<1x17x128xi32, #tpu.memory_space<vmem>>, vector<1x1x128xi32>
    %swap3A_52 = vector.shape_cast %swap3A_51 : vector<1x1x128xi32> to vector<128xi32>
    %swap3A_53 = vector.shape_cast %argmin3A_41 : vector<128xi32> to vector<1x1x128xi32>
    tpu.vector_store %arg4[%swap3A_48, %swap3A_49, %swap3A_50], %swap3A_53 {strides = array<i32>} : memref<1x17x128xi32, #tpu.memory_space<vmem>>, vector<1x1x128xi32>,
    %argmin3A_54 = tpu.reduce_index %select_n3A_47 {axis = 1 : i32, kind = #tpu.reduction_kind<arg_min>} : vector<128x2048xf32> -> vector<128xi32>
    %broadcast_in_dim3A_55 = vector.shape_cast %argmin3A_54 : vector<128xi32> to vector<128x1xi32>
    %eq3A_56 = vector.broadcast %broadcast_in_dim3A_55 : vector<128x1xi32> to vector<128x2048xi32>
    %eq3A_57 = arith.cmpi eq, %iota3A, %eq3A_56 : vector<128x2048xi32>
    %jit3A_58 = arith.constant 0x7F800000 : f32
    %broadcast_in_dim3A_59 = vector.broadcast %jit3A_58 : f32 to vector<128x2048xf32>
    %select_n3A_60 = arith.select %eq3A_57, %broadcast_in_dim3A_59, %select_n3A_47 : vector<128x2048xi1>, vector<128x2048xf32>
    %swap3A_61 = arith.constant 0 : index
    %swap3A_62 = arith.constant 3 : index
    %swap3A_63 = arith.constant 0 : index
    %swap3A_64 = vector.load %arg4[%swap3A_61, %swap3A_62, %swap3A_63] : memref<1x17x128xi32, #tpu.memory_space<vmem>>, vector<1x1x128xi32>
    %swap3A_65 = vector.shape_cast %swap3A_64 : vector<1x1x128xi32> to vector<128xi32>
    %swap3A_66 = vector.shape_cast %argmin3A_54 : vector<128xi32> to vector<1x1x128xi32>
    tpu.vector_store %arg4[%swap3A_61, %swap3A_62, %swap3A_63], %swap3A_66 {strides = array<i32>} : memref<1x17x128xi32, #tpu.memory_space<vmem>>, vector<1x1x128xi32>,
    %argmin3A_67 = tpu.reduce_index %select_n3A_60 {axis = 1 : i32, kind = #tpu.reduction_kind<arg_min>} : vector<128x2048xf32> -> vector<128xi32>
    %broadcast_in_dim3A_68 = vector.shape_cast %argmin3A_67 : vector<128xi32> to vector<128x1xi32>
    %eq3A_69 = vector.broadcast %broadcast_in_dim3A_68 : vector<128x1xi32> to vector<128x2048xi32>
    %eq3A_70 = arith.cmpi eq, %iota3A, %eq3A_69 : vector<128x2048xi32>
    %jit3A_71 = arith.constant 0x7F800000 : f32
    %broadcast_in_dim3A_72 = vector.broadcast %jit3A_71 : f32 to vector<128x2048xf32>
    %select_n3A_73 = arith.select %eq3A_70, %broadcast_in_dim3A_72, %select_n3A_60 : vector<128x2048xi1>, vector<128x2048xf32>
    %swap3A_74 = arith.constant 0 : index
    %swap3A_75 = arith.constant 4 : index
    %swap3A_76 = arith.constant 0 : index
    %swap3A_77 = vector.load %arg4[%swap3A_74, %swap3A_75, %swap3A_76] : memref<1x17x128xi32, #tpu.memory_space<vmem>>, vector<1x1x128xi32>
    %swap3A_78 = vector.shape_cast %swap3A_77 : vector<1x1x128xi32> to vector<128xi32>
    %swap3A_79 = vector.shape_cast %argmin3A_67 : vector<128xi32> to vector<1x1x128xi32>
    tpu.vector_store %arg4[%swap3A_74, %swap3A_75, %swap3A_76], %swap3A_79 {strides = array<i32>} : memref<1x17x128xi32, #tpu.memory_space<vmem>>, vector<1x1x128xi32>,
    %argmin3A_80 = tpu.reduce_index %select_n3A_73 {axis = 1 : i32, kind = #tpu.reduction_kind<arg_min>} : vector<128x2048xf32> -> vector<128xi32>
    %broadcast_in_dim3A_81 = vector.shape_cast %argmin3A_80 : vector<128xi32> to vector<128x1xi32>
    %eq3A_82 = vector.broadcast %broadcast_in_dim3A_81 : vector<128x1xi32> to vector<128x2048xi32>
    %eq3A_83 = arith.cmpi eq, %iota3A, %eq3A_82 : vector<128x2048xi32>
    %jit3A_84 = arith.constant 0x7F800000 : f32
    %broadcast_in_dim3A_85 = vector.broadcast %jit3A_84 : f32 to vector<128x2048xf32>
    %select_n3A_86 = arith.select %eq3A_83, %broadcast_in_dim3A_85, %select_n3A_73 : vector<128x2048xi1>, vector<128x2048xf32>
    %swap3A_87 = arith.constant 0 : index
    %swap3A_88 = arith.constant 5 : index
    %swap3A_89 = arith.constant 0 : index
    %swap3A_90 = vector.load %arg4[%swap3A_87, %swap3A_88, %swap3A_89] : memref<1x17x128xi32, #tpu.memory_space<vmem>>, vector<1x1x128xi32>
    %swap3A_91 = vector.shape_cast %swap3A_90 : vector<1x1x128xi32> to vector<128xi32>
    %swap3A_92 = vector.shape_cast %argmin3A_80 : vector<128xi32> to vector<1x1x128xi32>
    tpu.vector_store %arg4[%swap3A_87, %swap3A_88, %swap3A_89], %swap3A_92 {strides = array<i32>} : memref<1x17x128xi32, #tpu.memory_space<vmem>>, vector<1x1x128xi32>,
    %argmin3A_93 = tpu.reduce_index %select_n3A_86 {axis = 1 : i32, kind = #tpu.reduction_kind<arg_min>} : vector<128x2048xf32> -> vector<128xi32>
    %broadcast_in_dim3A_94 = vector.shape_cast %argmin3A_93 : vector<128xi32> to vector<128x1xi32>
    %eq3A_95 = vector.broadcast %broadcast_in_dim3A_94 : vector<128x1xi32> to vector<128x2048xi32>
    %eq3A_96 = arith.cmpi eq, %iota3A, %eq3A_95 : vector<128x2048xi32>
    %jit3A_97 = arith.constant 0x7F800000 : f32
    %broadcast_in_dim3A_98 = vector.broadcast %jit3A_97 : f32 to vector<128x2048xf32>
    %select_n3A_99 = arith.select %eq3A_96, %broadcast_in_dim3A_98, %select_n3A_86 : vector<128x2048xi1>, vector<128x2048xf32>
    %swap3A_100 = arith.constant 0 : index
    %swap3A_101 = arith.constant 6 : index
    %swap3A_102 = arith.constant 0 : index
    %swap3A_103 = vector.load %arg4[%swap3A_100, %swap3A_101, %swap3A_102] : memref<1x17x128xi32, #tpu.memory_space<vmem>>, vector<1x1x128xi32>
    %swap3A_104 = vector.shape_cast %swap3A_103 : vector<1x1x128xi32> to vector<128xi32>
    %swap3A_105 = vector.shape_cast %argmin3A_93 : vector<128xi32> to vector<1x1x128xi32>
    tpu.vector_store %arg4[%swap3A_100, %swap3A_101, %swap3A_102], %swap3A_105 {strides = array<i32>} : memref<1x17x128xi32, #tpu.memory_space<vmem>>, vector<1x1x128xi32>,
    %argmin3A_106 = tpu.reduce_index %select_n3A_99 {axis = 1 : i32, kind = #tpu.reduction_kind<arg_min>} : vector<128x2048xf32> -> vector<128xi32>
    %broadcast_in_dim3A_107 = vector.shape_cast %argmin3A_106 : vector<128xi32> to vector<128x1xi32>
    %eq3A_108 = vector.broadcast %broadcast_in_dim3A_107 : vector<128x1xi32> to vector<128x2048xi32>
    %eq3A_109 = arith.cmpi eq, %iota3A, %eq3A_108 : vector<128x2048xi32>
    %jit3A_110 = arith.constant 0x7F800000 : f32
    %broadcast_in_dim3A_111 = vector.broadcast %jit3A_110 : f32 to vector<128x2048xf32>
    %select_n3A_112 = arith.select %eq3A_109, %broadcast_in_dim3A_111, %select_n3A_99 : vector<128x2048xi1>, vector<128x2048xf32>
    %swap3A_113 = arith.constant 0 : index
    %swap3A_114 = arith.constant 7 : index
    %swap3A_115 = arith.constant 0 : index
    %swap3A_116 = vector.load %arg4[%swap3A_113, %swap3A_114, %swap3A_115] : memref<1x17x128xi32, #tpu.memory_space<vmem>>, vector<1x1x128xi32>
    %swap3A_117 = vector.shape_cast %swap3A_116 : vector<1x1x128xi32> to vector<128xi32>
    %swap3A_118 = vector.shape_cast %argmin3A_106 : vector<128xi32> to vector<1x1x128xi32>
    tpu.vector_store %arg4[%swap3A_113, %swap3A_114, %swap3A_115], %swap3A_118 {strides = array<i32>} : memref<1x17x128xi32, #tpu.memory_space<vmem>>, vector<1x1x128xi32>,
    %argmin3A_119 = tpu.reduce_index %select_n3A_112 {axis = 1 : i32, kind = #tpu.reduction_kind<arg_min>} : vector<128x2048xf32> -> vector<128xi32>
    %broadcast_in_dim3A_120 = vector.shape_cast %argmin3A_119 : vector<128xi32> to vector<128x1xi32>
    %eq3A_121 = vector.broadcast %broadcast_in_dim3A_120 : vector<128x1xi32> to vector<128x2048xi32>
    %eq3A_122 = arith.cmpi eq, %iota3A, %eq3A_121 : vector<128x2048xi32>
    %jit3A_123 = arith.constant 0x7F800000 : f32
    %broadcast_in_dim3A_124 = vector.broadcast %jit3A_123 : f32 to vector<128x2048xf32>
    %select_n3A_125 = arith.select %eq3A_122, %broadcast_in_dim3A_124, %select_n3A_112 : vector<128x2048xi1>, vector<128x2048xf32>
    %swap3A_126 = arith.constant 0 : index
    %swap3A_127 = arith.constant 8 : index
    %swap3A_128 = arith.constant 0 : index
    %swap3A_129 = vector.load %arg4[%swap3A_126, %swap3A_127, %swap3A_128] : memref<1x17x128xi32, #tpu.memory_space<vmem>>, vector<1x1x128xi32>
    %swap3A_130 = vector.shape_cast %swap3A_129 : vector<1x1x128xi32> to vector<128xi32>
    %swap3A_131 = vector.shape_cast %argmin3A_119 : vector<128xi32> to vector<1x1x128xi32>
    tpu.vector_store %arg4[%swap3A_126, %swap3A_127, %swap3A_128], %swap3A_131 {strides = array<i32>} : memref<1x17x128xi32, #tpu.memory_space<vmem>>, vector<1x1x128xi32>,
    %argmin3A_132 = tpu.reduce_index %select_n3A_125 {axis = 1 : i32, kind = #tpu.reduction_kind<arg_min>} : vector<128x2048xf32> -> vector<128xi32>
    %broadcast_in_dim3A_133 = vector.shape_cast %argmin3A_132 : vector<128xi32> to vector<128x1xi32>
    %eq3A_134 = vector.broadcast %broadcast_in_dim3A_133 : vector<128x1xi32> to vector<128x2048xi32>
    %eq3A_135 = arith.cmpi eq, %iota3A, %eq3A_134 : vector<128x2048xi32>
    %jit3A_136 = arith.constant 0x7F800000 : f32
    %broadcast_in_dim3A_137 = vector.broadcast %jit3A_136 : f32 to vector<128x2048xf32>
    %select_n3A_138 = arith.select %eq3A_135, %broadcast_in_dim3A_137, %select_n3A_125 : vector<128x2048xi1>, vector<128x2048xf32>
    %swap3A_139 = arith.constant 0 : index
    %swap3A_140 = arith.constant 9 : index
    %swap3A_141 = arith.constant 0 : index
    %swap3A_142 = vector.load %arg4[%swap3A_139, %swap3A_140, %swap3A_141] : memref<1x17x128xi32, #tpu.memory_space<vmem>>, vector<1x1x128xi32>
    %swap3A_143 = vector.shape_cast %swap3A_142 : vector<1x1x128xi32> to vector<128xi32>
    %swap3A_144 = vector.shape_cast %argmin3A_132 : vector<128xi32> to vector<1x1x128xi32>
    tpu.vector_store %arg4[%swap3A_139, %swap3A_140, %swap3A_141], %swap3A_144 {strides = array<i32>} : memref<1x17x128xi32, #tpu.memory_space<vmem>>, vector<1x1x128xi32>,
    %argmin3A_145 = tpu.reduce_index %select_n3A_138 {axis = 1 : i32, kind = #tpu.reduction_kind<arg_min>} : vector<128x2048xf32> -> vector<128xi32>
    %broadcast_in_dim3A_146 = vector.shape_cast %argmin3A_145 : vector<128xi32> to vector<128x1xi32>
    %eq3A_147 = vector.broadcast %broadcast_in_dim3A_146 : vector<128x1xi32> to vector<128x2048xi32>
    %eq3A_148 = arith.cmpi eq, %iota3A, %eq3A_147 : vector<128x2048xi32>
    %jit3A_149 = arith.constant 0x7F800000 : f32
    %broadcast_in_dim3A_150 = vector.broadcast %jit3A_149 : f32 to vector<128x2048xf32>
    %select_n3A_151 = arith.select %eq3A_148, %broadcast_in_dim3A_150, %select_n3A_138 : vector<128x2048xi1>, vector<128x2048xf32>
    %swap3A_152 = arith.constant 0 : index
    %swap3A_153 = arith.constant 10 : index
    %swap3A_154 = arith.constant 0 : index
    %swap3A_155 = vector.load %arg4[%swap3A_152, %swap3A_153, %swap3A_154] : memref<1x17x128xi32, #tpu.memory_space<vmem>>, vector<1x1x128xi32>
    %swap3A_156 = vector.shape_cast %swap3A_155 : vector<1x1x128xi32> to vector<128xi32>
    %swap3A_157 = vector.shape_cast %argmin3A_145 : vector<128xi32> to vector<1x1x128xi32>
    tpu.vector_store %arg4[%swap3A_152, %swap3A_153, %swap3A_154], %swap3A_157 {strides = array<i32>} : memref<1x17x128xi32, #tpu.memory_space<vmem>>, vector<1x1x128xi32>,
    %argmin3A_158 = tpu.reduce_index %select_n3A_151 {axis = 1 : i32, kind = #tpu.reduction_kind<arg_min>} : vector<128x2048xf32> -> vector<128xi32>
    %broadcast_in_dim3A_159 = vector.shape_cast %argmin3A_158 : vector<128xi32> to vector<128x1xi32>
    %eq3A_160 = vector.broadcast %broadcast_in_dim3A_159 : vector<128x1xi32> to vector<128x2048xi32>
    %eq3A_161 = arith.cmpi eq, %iota3A, %eq3A_160 : vector<128x2048xi32>
    %jit3A_162 = arith.constant 0x7F800000 : f32
    %broadcast_in_dim3A_163 = vector.broadcast %jit3A_162 : f32 to vector<128x2048xf32>
    %select_n3A_164 = arith.select %eq3A_161, %broadcast_in_dim3A_163, %select_n3A_151 : vector<128x2048xi1>, vector<128x2048xf32>
    %swap3A_165 = arith.constant 0 : index
    %swap3A_166 = arith.constant 11 : index
    %swap3A_167 = arith.constant 0 : index
    %swap3A_168 = vector.load %arg4[%swap3A_165, %swap3A_166, %swap3A_167] : memref<1x17x128xi32, #tpu.memory_space<vmem>>, vector<1x1x128xi32>
    %swap3A_169 = vector.shape_cast %swap3A_168 : vector<1x1x128xi32> to vector<128xi32>
    %swap3A_170 = vector.shape_cast %argmin3A_158 : vector<128xi32> to vector<1x1x128xi32>
    tpu.vector_store %arg4[%swap3A_165, %swap3A_166, %swap3A_167], %swap3A_170 {strides = array<i32>} : memref<1x17x128xi32, #tpu.memory_space<vmem>>, vector<1x1x128xi32>,
    %argmin3A_171 = tpu.reduce_index %select_n3A_164 {axis = 1 : i32, kind = #tpu.reduction_kind<arg_min>} : vector<128x2048xf32> -> vector<128xi32>
    %broadcast_in_dim3A_172 = vector.shape_cast %argmin3A_171 : vector<128xi32> to vector<128x1xi32>
    %eq3A_173 = vector.broadcast %broadcast_in_dim3A_172 : vector<128x1xi32> to vector<128x2048xi32>
    %eq3A_174 = arith.cmpi eq, %iota3A, %eq3A_173 : vector<128x2048xi32>
    %jit3A_175 = arith.constant 0x7F800000 : f32
    %broadcast_in_dim3A_176 = vector.broadcast %jit3A_175 : f32 to vector<128x2048xf32>
    %select_n3A_177 = arith.select %eq3A_174, %broadcast_in_dim3A_176, %select_n3A_164 : vector<128x2048xi1>, vector<128x2048xf32>
    %swap3A_178 = arith.constant 0 : index
    %swap3A_179 = arith.constant 12 : index
    %swap3A_180 = arith.constant 0 : index
    %swap3A_181 = vector.load %arg4[%swap3A_178, %swap3A_179, %swap3A_180] : memref<1x17x128xi32, #tpu.memory_space<vmem>>, vector<1x1x128xi32>
    %swap3A_182 = vector.shape_cast %swap3A_181 : vector<1x1x128xi32> to vector<128xi32>
    %swap3A_183 = vector.shape_cast %argmin3A_171 : vector<128xi32> to vector<1x1x128xi32>
    tpu.vector_store %arg4[%swap3A_178, %swap3A_179, %swap3A_180], %swap3A_183 {strides = array<i32>} : memref<1x17x128xi32, #tpu.memory_space<vmem>>, vector<1x1x128xi32>,
    %argmin3A_184 = tpu.reduce_index %select_n3A_177 {axis = 1 : i32, kind = #tpu.reduction_kind<arg_min>} : vector<128x2048xf32> -> vector<128xi32>
    %broadcast_in_dim3A_185 = vector.shape_cast %argmin3A_184 : vector<128xi32> to vector<128x1xi32>
    %eq3A_186 = vector.broadcast %broadcast_in_dim3A_185 : vector<128x1xi32> to vector<128x2048xi32>
    %eq3A_187 = arith.cmpi eq, %iota3A, %eq3A_186 : vector<128x2048xi32>
    %jit3A_188 = arith.constant 0x7F800000 : f32
    %broadcast_in_dim3A_189 = vector.broadcast %jit3A_188 : f32 to vector<128x2048xf32>
    %select_n3A_190 = arith.select %eq3A_187, %broadcast_in_dim3A_189, %select_n3A_177 : vector<128x2048xi1>, vector<128x2048xf32>
    %swap3A_191 = arith.constant 0 : index
    %swap3A_192 = arith.constant 13 : index
    %swap3A_193 = arith.constant 0 : index
    %swap3A_194 = vector.load %arg4[%swap3A_191, %swap3A_192, %swap3A_193] : memref<1x17x128xi32, #tpu.memory_space<vmem>>, vector<1x1x128xi32>
    %swap3A_195 = vector.shape_cast %swap3A_194 : vector<1x1x128xi32> to vector<128xi32>
    %swap3A_196 = vector.shape_cast %argmin3A_184 : vector<128xi32> to vector<1x1x128xi32>
    tpu.vector_store %arg4[%swap3A_191, %swap3A_192, %swap3A_193], %swap3A_196 {strides = array<i32>} : memref<1x17x128xi32, #tpu.memory_space<vmem>>, vector<1x1x128xi32>,
    %argmin3A_197 = tpu.reduce_index %select_n3A_190 {axis = 1 : i32, kind = #tpu.reduction_kind<arg_min>} : vector<128x2048xf32> -> vector<128xi32>
    %broadcast_in_dim3A_198 = vector.shape_cast %argmin3A_197 : vector<128xi32> to vector<128x1xi32>
    %eq3A_199 = vector.broadcast %broadcast_in_dim3A_198 : vector<128x1xi32> to vector<128x2048xi32>
    %eq3A_200 = arith.cmpi eq, %iota3A, %eq3A_199 : vector<128x2048xi32>
    %jit3A_201 = arith.constant 0x7F800000 : f32
    %broadcast_in_dim3A_202 = vector.broadcast %jit3A_201 : f32 to vector<128x2048xf32>
    %select_n3A_203 = arith.select %eq3A_200, %broadcast_in_dim3A_202, %select_n3A_190 : vector<128x2048xi1>, vector<128x2048xf32>
    %swap3A_204 = arith.constant 0 : index
    %swap3A_205 = arith.constant 14 : index
    %swap3A_206 = arith.constant 0 : index
    %swap3A_207 = vector.load %arg4[%swap3A_204, %swap3A_205, %swap3A_206] : memref<1x17x128xi32, #tpu.memory_space<vmem>>, vector<1x1x128xi32>
    %swap3A_208 = vector.shape_cast %swap3A_207 : vector<1x1x128xi32> to vector<128xi32>
    %swap3A_209 = vector.shape_cast %argmin3A_197 : vector<128xi32> to vector<1x1x128xi32>
    tpu.vector_store %arg4[%swap3A_204, %swap3A_205, %swap3A_206], %swap3A_209 {strides = array<i32>} : memref<1x17x128xi32, #tpu.memory_space<vmem>>, vector<1x1x128xi32>,
    %argmin3A_210 = tpu.reduce_index %select_n3A_203 {axis = 1 : i32, kind = #tpu.reduction_kind<arg_min>} : vector<128x2048xf32> -> vector<128xi32>
    %broadcast_in_dim3A_211 = vector.shape_cast %argmin3A_210 : vector<128xi32> to vector<128x1xi32>
    %eq3A_212 = vector.broadcast %broadcast_in_dim3A_211 : vector<128x1xi32> to vector<128x2048xi32>
    %eq3A_213 = arith.cmpi eq, %iota3A, %eq3A_212 : vector<128x2048xi32>
    %jit3A_214 = arith.constant 0x7F800000 : f32
    %broadcast_in_dim3A_215 = vector.broadcast %jit3A_214 : f32 to vector<128x2048xf32>
    %select_n3A_216 = arith.select %eq3A_213, %broadcast_in_dim3A_215, %select_n3A_203 : vector<128x2048xi1>, vector<128x2048xf32>
    %swap3A_217 = arith.constant 0 : index
    %swap3A_218 = arith.constant 15 : index
    %swap3A_219 = arith.constant 0 : index
    %swap3A_220 = vector.load %arg4[%swap3A_217, %swap3A_218, %swap3A_219] : memref<1x17x128xi32, #tpu.memory_space<vmem>>, vector<1x1x128xi32>
    %swap3A_221 = vector.shape_cast %swap3A_220 : vector<1x1x128xi32> to vector<128xi32>
    %swap3A_222 = vector.shape_cast %argmin3A_210 : vector<128xi32> to vector<1x1x128xi32>
    tpu.vector_store %arg4[%swap3A_217, %swap3A_218, %swap3A_219], %swap3A_222 {strides = array<i32>} : memref<1x17x128xi32, #tpu.memory_space<vmem>>, vector<1x1x128xi32>,
    %argmin3A_223 = tpu.reduce_index %select_n3A_216 {axis = 1 : i32, kind = #tpu.reduction_kind<arg_min>} : vector<128x2048xf32> -> vector<128xi32>
    %swap3A_224 = arith.constant 0 : index
    %swap3A_225 = arith.constant 16 : index
    %swap3A_226 = arith.constant 0 : index
    %swap3A_227 = vector.load %arg4[%swap3A_224, %swap3A_225, %swap3A_226] : memref<1x17x128xi32, #tpu.memory_space<vmem>>, vector<1x1x128xi32>
    %swap3A_228 = vector.shape_cast %swap3A_227 : vector<1x1x128xi32> to vector<128xi32>
    %swap3A_229 = vector.shape_cast %argmin3A_223 : vector<128xi32> to vector<1x1x128xi32>
    tpu.vector_store %arg4[%swap3A_224, %swap3A_225, %swap3A_226], %swap3A_229 {strides = array<i32>} : memref<1x17x128xi32, #tpu.memory_space<vmem>>, vector<1x1x128xi32>,
    return
  }
  func.func @transform_0(%arg0: i32, %arg1: i32) -> (i32, i32, i32) {
    %c0_i32 = arith.constant 0 : i32
    %c0_i32_0 = arith.constant 0 : i32
    return %arg0, %c0_i32, %arg1 : i32, i32, i32
  }
  func.func @transform_1(%arg0: i32, %arg1: i32) -> (i32, i32, i32) {
    %c0_i32 = arith.constant 0 : i32
    %c0_i32_0 = arith.constant 0 : i32
    %c0_i32_1 = arith.constant 0 : i32
    return %arg0, %c0_i32, %c0_i32_0 : i32, i32, i32
  }
  func.func @transform_2(%arg0: i32, %arg1: i32) -> (i32, i32, i32) {
    %c0_i32 = arith.constant 0 : i32
    %c0_i32_0 = arith.constant 0 : i32
    return %arg0, %c0_i32, %arg1 : i32, i32, i32
  }
}

</mosaic_0001>

<sc_bundles>
// kernel: kernel.10.cloned.1.call-start
scs
__scs_entry_jumppad:
0x0: {  	(pc) =	sbr.rel $0x88, $3  }
0x1: {  	(tag) =	ssettag $0x0;
	lr =	simm.s32 $0x1  }
0x2: {  	[smem:$0x3FA0] =	sst lr;
	_ =	strace $0xD0000000  }
0x3: {  	_ = 	snop  }
0x4: {  	_ = 	snop  }
0x5: {  	_ = 	snop  }
0x6: {  	_ = 	snop  }
0x7: {  	_ = 	snop  }
__scs_overlays_trampoline_lowered:
0x8: {  	[smem:$0x3FAF] =	sst s0  }
0x9: {  	[smem:$0x3FB0] =	sst s1  }
0xa: {  	[smem:$0x3FB1] =	sst s2  }
0xb: {  	[smem:$0x3FB2] =	sst s3  }
0xc: {  	[smem:$0x3FB3] =	sst s4  }
0xd: {  	[smem:$0x3FB4] =	sst s5  }
0xe: {  	[smem:$0x3FB5] =	sst s6  }
0xf: {  	[smem:$0x3FB6] =	sst s7  }
0x10: {  	[smem:$0x3FB7] =	sst s8  }
0x11: {  	[smem:$0x3FB8] =	sst s9;
	s0 =	simm.s32 @!p0 $0x0  }
0x12: {  	s1 =	sld [smem:$0x3F9E];
	s0 =	simm.s32 @p0 $0x1  }
0x13: {  	[smem:$0x3FB9] =	sst s0;
	s0 =	simm.s32 @!p1 $0x0  }
0x14: {  	s2 =	sld [smem:$0x3F9D];
	s0 =	simm.s32 @p1 $0x1  }
0x15: {  	[smem:$0x3FBA] =	sst s0;
	s0 =	simm.s32 @!p2 $0x0  }
0x16: {  	s3 =	sld [smem:$0x3FDB];
	s0 =	simm.s32 @p2 $0x1  }
0x17: {  	s4 =	simm.s32 $0x1BF5;
	[smem:$0x3FBC] =	sst s0  }
0x18: {  	s0 =	sld [smem:$0x3F9F];
	_ =	swait.ge [sflag:s4], $0x0  }
0x19: {  	s7 =	sld [smem:$0x3FA0]  }
0x1a: {  	s8 =	sadd.s32 $0xFFFFE003, lr  }
0x1b: {  	s9 =	sadd.s32 $0xFFFFFEF7, lr;
	s5 =	simm.s32 $0xFFFFFFFF;
	p2 =	slt.u32 s8, $0xFFFFF086  }
0x1c: {  	p1 =	slt.u32 s9, $0xF7A;
	s5 =	simm.s32 @!p2 $0x0  }
0x1d: {  	s5 =	simm.s32 @p1 $0x1;
	p0 =	seq.s32 s7, s2  }
0x1e: {  	s7 =	smul.u32 @!p0 $0xF7A, s2;
	p2 =	seq.s32 @!p0 s5, $0x0  }
0x1f: {  	s9 =	smul.u32 $0xF7A, s1;
	s8 =	simm.s32 @!p0 $0x1BF5;
	p2 =	por !p2, p0  }
0x20: {  	[sflag:s8] =	ssyncset.s32 @!p0 $0xFFFFF086;
	s6 =	sadd.s32 @!p0 s3, s7;
	s7 =	simm.s32 @!p0 $0x108  }
0x21: {  	s3 =	sadd.s32 s3, s9;
	s6 =	sadd.s32 @!p0 $0x88, s6;
	s7 =	simm.s32 @p2 $0x1082  }
0x22: {  	[simem:s7], [sflag:s8] =	dma.local @!p0 [hbm:s6], $0xF7A  }
0x23: {  	s9 =	sor.u32 $0xD0000000, s2;
	s6 =	simm.s32 $0x108;
	_ =	swait.ge @!p0 [sflag:s8], $0x0  }
0x24: {  	s3 =	sadd.s32 $0x88, s3;
	s6 =	simm.s32 @!p1 $0x1082;
	[sflag:s4] =	ssyncset.s32 $0xFFFFF086  }
0x25: {  	[simem:s6], [sflag:s4] =	dma.local [hbm:s3], $0xF7A  }
0x26: {  	[smem:$0x3FA0] =	sst s1;
	(tag) =	ssettag s2;
	_ =	strace s9  }
0x27: {  	s1 =	sld [smem:$0x3FB0]  }
0x28: {  	s2 =	sld [smem:$0x3FB1]  }
0x29: {  	s4 =	sld [smem:$0x3FB3]  }
0x2a: {  	p0 =	seq.s32 s5, $0x0;
	s5 =	sld [smem:$0x3FB4]  }
0x2b: {  	s6 =	sld [smem:$0x3FB5]  }
0x2c: {  	s7 =	sld [smem:$0x3FB6]  }
0x2d: {  	s3 =	simm.s32 $0x108;
	s8 =	sld [smem:$0x3FB7]  }
0x2e: {  	s3 =	simm.s32 @!p0 $0x1082;
	s9 =	sld [smem:$0x3FB8]  }
0x2f: {  	lr =	sadd.s32 s0, s3;
	s0 =	sld [smem:$0x3FAF]  }
0x30: {  	s3 =	sld [smem:$0x3FB2]  }
0x31: {  	[smem:$0x3FBB] =	sst s10  }
0x32: {  	s10 =	sld [smem:$0x3FB9];
	_ =	sdelay $0x3  }
0x33: {  	p0 =	seq.s32 s10, $0x1;
	s10 =	sld [smem:$0x3FBB];
	_ =	sdelay $0x3  }
0x34: {  	[smem:$0x3FBB] =	sst s10  }
0x35: {  	s10 =	sld [smem:$0x3FBA];
	_ =	sdelay $0x3  }
0x36: {  	p1 =	seq.s32 s10, $0x1;
	s10 =	sld [smem:$0x3FBB];
	_ =	sdelay $0x3  }
0x37: {  	[smem:$0x3FBB] =	sst s10  }
0x38: {  	s10 =	sld [smem:$0x3FBC]  }
0x39: {  	_ = 	snop;
	(pc) =	sbr.ind lr, $3  }
0x3a: {  	_ = 	snop  }
0x3b: {  	_ = 	snop  }
0x3c: {  	p2 =	seq.s32 s10, $0x1;
	s10 =	sld [smem:$0x3FBB]  }
0x3d: {  	_ =	shalt  }
0x3e: {  	_ =	shalt  }
0x3f: {  	_ =	shalt  }
0x40: {  	_ =	shalt  }
0x41: {  	_ =	shalt  }
0x42: {  	_ =	shalt  }
0x43: {  	_ =	shalt  }
0x44: {  	_ =	shalt  }
0x45: {  	_ =	shalt  }
0x46: {  	_ =	shalt  }
0x47: {  	_ =	shalt  }
0x48: {  	_ =	shalt  }
0x49: {  	_ =	shalt  }
0x4a: {  	_ =	shalt  }
0x4b: {  	_ =	shalt  }
0x4c: {  	_ =	shalt  }
0x4d: {  	_ =	shalt  }
0x4e: {  	_ =	shalt  }
0x4f: {  	_ =	shalt  }
0x50: {  	_ =	shalt  }
0x51: {  	_ =	shalt  }
0x52: {  	_ =	shalt  }
0x53: {  	_ =	shalt  }
0x54: {  	_ =	shalt  }
0x55: {  	_ =	shalt  }
0x56: {  	_ =	shalt  }
0x57: {  	_ =	shalt  }
0x58: {  	_ =	shalt  }
0x59: {  	_ =	shalt  }
0x5a: {  	_ =	shalt  }
0x5b: {  	_ =	shalt  }
0x5c: {  	_ =	shalt  }
0x5d: {  	_ =	shalt  }
0x5e: {  	_ =	shalt  }
0x5f: {  	_ =	shalt  }
0x60: {  	_ =	shalt  }
0x61: {  	_ =	shalt  }
0x62: {  	_ =	shalt  }
0x63: {  	_ =	shalt  }
0x64: {  	_ =	shalt  }
0x65: {  	_ =	shalt  }
0x66: {  	_ =	shalt  }
0x67: {  	_ =	shalt  }
0x68: {  	_ =	shalt  }
0x69: {  	_ =	shalt  }
0x6a: {  	_ =	shalt  }
0x6b: {  	_ =	shalt  }
0x6c: {  	_ =	shalt  }
0x6d: {  	_ =	shalt  }
0x6e: {  	_ =	shalt  }
0x6f: {  	_ =	shalt  }
0x70: {  	_ =	shalt  }
0x71: {  	_ =	shalt  }
0x72: {  	_ =	shalt  }
0x73: {  	_ =	shalt  }
0x74: {  	_ =	shalt  }
0x75: {  	_ =	shalt  }
0x76: {  	_ =	shalt  }
0x77: {  	_ =	shalt  }
0x78: {  	_ =	shalt  }
0x79: {  	_ =	shalt  }
0x7a: {  	_ =	shalt  }
0x7b: {  	_ =	shalt  }
0x7c: {  	_ =	shalt  }
0x7d: {  	_ =	shalt  }
0x7e: {  	_ =	shalt  }
0x7f: {  	_ =	shalt  }
0x80: {  	_ =	shalt  }
0x81: {  	_ =	shalt  }
0x82: {  	_ =	shalt  }
0x83: {  	_ =	shalt  }
0x84: {  	_ =	shalt  }
0x85: {  	_ =	shalt  }
0x86: {  	_ =	shalt  }
0x87: {  	_ =	shalt  }
.Lfunc_end0:
.L_simem_size_0:
called_computation_lowered:
.L_overlay_start_0:
0x88: {  	s2 =	sld [smem:$0x3FD9]  }
0x89: {  	s3 =	sld [smem:$0x3FFE];
	_ =	sdelay $0x1  }
0x8a: {  	s1 =	srdreg.scid  }
0x8b: {  	s0 =	sand.u32 $0x1, s1  }
0x8c: {  	s16 =	sshll.u32 s0, $0xA;
	s2 =	sadd.s32 s3, s2  }
0x8d: {  	s2 =	sadd.s32 s2, s16  }
0x8e: {  	[smem:$0x3FC7] =	sst s2  }
0x8f: {  	_ = 	snop  }
0x90: {  	(tm) =	ssettm $0x1  }
0x91: {  	s17 =	sld [smem:$0x3FFB];
	_ =	sdelay $0x3  }
0x92: {  	_ =	strace s17  }
0x93: {  	s2 =	sld [smem:$0x3FFC];
	_ =	sdelay $0x3  }
0x94: {  	_ =	strace s2  }
0x95: {  	s2 =	sld [smem:$0x3FFD];
	_ =	sdelay $0x3  }
0x96: {  	_ =	strace s2  }
0x97: {  	_ =	strace $0x8FFFFFFF  }
0x98: {  	s18 =	sld [smem:$0x3FDB];
	_ =	sdelay $0x1  }
0x99: {  	s19 =	simm.s32 $_scs_section_size  }
0x9a: {  	s4 =	simm.s32 $_size__tile_overlayer_lowered;
	s5 =	simm.s32 $_tile_overlayer_lowered  }
0x9b: {  	s22 =	simm.s32 $0x1BFF;
	s21 =	sshll.u32 s5, $0x1;
	s2 =	sadd.s32 s19, s18  }
0x9c: {  	s6 =	simm.s32 $0x0;
	s20 =	sshll.u32 s4, $0x1;
	s4 =	sadd.s32 s21, s2  }
0x9d: {  	[timem:s6], [sflag:s22] =	dma.local [hbm:s4], s20  }
0x9e: {  	_ =	swait.ge [sflag:s22], s20  }
0x9f: {  	s3 =	ssub.s32 $0x0, s20;
	[sflag:s22] =	ssyncset.done $0x0  }
0xa0: {  	[sflag:s22] =	ssyncadd.s32 s3;
	_ =	sdelay $0x1  }
0xa1: {  	s23 =	simm.s32 $0x1B8B  }
0xa2: {  	_ =	swait.ge [sflag:s23], $0x1  }
0xa3: {  	[sflag:s23] =	ssyncset.done $0x0  }
0xa4: {  	s25 =	simm.s32 $0x1B8E;
	s24 =	sld [smem:$0x3FFE];
	[sflag:s23] =	ssyncadd.s32 $0xFFFFFFFF  }
0xa5: {  	s26 =	simm.s32 $execute0_lowered;
	[smem:$0x3FD2] =	sst s25  }
0xa6: {  	s4 =	sshll.u32 s26, $0x1;
	_ =	strace $0x80000046;
	[dreg:$0x1] =	wrdreg $0xFFFFFFFF  }
0xa7: {  	s28 =	simm.s32 $_size_execute0_lowered;
	s2 =	sadd.s32 s2, s4;
	[dreg:$0x0] =	wrdreg $0x0  }
0xa8: {  	s4 =	sshll.u32 s28, $0x1;
	[dreg:$0x2] =	wrdreg s2  }
0xa9: {  	[dreg:$0x3] =	wrdreg s4  }
0xaa: {  	[dreg:$0x4] =	wrdreg $0xC0  }
0xab: {  	_ =	task [dreg:s6], $0x5FFFF  }
0xac: {  	[dreg:$0x1] =	wrdreg $0xFFFFFFFF  }
0xad: {  	[dreg:$0x0] =	wrdreg $0x60  }
0xae: {  	[dreg:$0x2] =	wrdreg s24  }
0xaf: {  	[dreg:$0x3] =	wrdreg $0x9  }
0xb0: {  	_ =	task.clear_ibuf [dreg:s6], $0x4FFFF;
	_ =	strace $0x90000046  }
0xb1: {  	s29 =	simm.s32 $0x9;
	_ =	strace $0x80000048  }
0xb2: {  	_ =	swait.ge [sflag:s29], $0x1  }
0xb3: {  	[sflag:s29] =	ssyncadd.s32 $0xFFFFFFFF  }
0xb4: {  	_ =	strace $0x90000048  }
0xb5: {  	_ =	sfence  }
0xb6: {  	s30 =	sld [smem:$0x0];
	_ =	sdelay $0x2  }
0xb7: {  	s31 =	sshll.u32 s1, $0xD;
	s1 =	sshrl.u32 s1, $0x2  }
0xb8: {  	s3 =	sand.u32 $0x4000, s31;
	s1 =	sadd.s32 s1, s30  }
0xb9: {  	s0 =	sor.u32 s3, s0;
	s1 =	sshll.u32 s1, $0x11  }
0xba: {  	s0 =	sor.u32 s1, s0  }
0xbb: {  	s0 =	sadd.s32 $0x8F2B, s0  }
0xbc: {  	[sflag:s0] =	ssyncadd.remote.s32 $0x1  }
0xbd: {  	_ =	sfence.sel $0xFFFF  }
0xbe: {  	[dreg:$0x0] =	wrdreg $0xFFFFFFFF;
	(pc) =	sbr.abs _section_cstart, $3  }
0xbf: {  	[dreg:$0x1] =	wrdreg $0xFFFFFFFF  }
0xc0: {  	_ =	task.clear_ibuf [dreg:s6], $0x2FFFF;
	_ =	strace $0x9FFFFFFF  }
0xc1: {  	(tm) =	ssettm $0x7FFFFFFF  }
tec
execute0_lowered:
.L_overlay_start_1:
0x0: {  	(tag) =	ssettag $0x1  }
0x1: {  	s6 =	rddreg [dreg:$0x0];
	s2 =	srdreg.scid  }
0x2: {  	s0 =	rddreg [dreg:$0x1];
	s1 =	simm.s32 $0x0;
	s3 =	stileid.u32  }
0x3: {  	s9 =	simm.s32 $0x2;
	s10 =	simm.s32 $0x800;
	s11 =	simm.s32 $0x1000  }
0x4: {  	s12 =	simm.s32 $0x1800;
	s13 =	simm.s32 $0x2000;
	s14 =	simm.s32 $0x2800  }
.Ltmp0:
0x5: {  	s15 =	simm.s32 $0x3000;
	s2 =	sand.u32 $0x1, s2;
	(pc) =	sbr.rel .LBB2_1-.Ltmp0, $4  }
0x6: {  	s16 =	simm.s32 $0x1;
	s17 =	simm.s32 $0x0;
	s7 =	ssub.s32 $0x2, s2  }
0x7: {  	[smem:$0x7FF] =	sst s1;
	s4 =	sadd.s32 $0x1200, s6;
	s8 =	sshrl.u32 s7, $0x1  }
0x8: {  	s5 =	sadd.s32 $0x1800, s6;
	s6 =	sadd.s32 $0x3A00, s6;
	s8 =	ssub.s32 s7, s8  }
0x9: {  	_ =	strace $0x80000047;
	s7 =	sshll.u32 s3, $0x1;
	s8 =	smax.u32 s8, $0x1  }
.LBB2_7:
0xa: {  	s17 =	sadd.s32 $0x1, s17  }
0xb: {  	p0 =	sne.s32 s17, s8  }
.Ltmp1:
0xc: {  	_ = 	snop;
	(pc) =	sbr.rel @!p0 .LBB2_8-.Ltmp1, $1  }
0xd: {  	_ =	sdelay $0x3  }
.LBB2_1:
.Ltmp2:
0xe: {  	(pc) =	sbr.rel .LBB2_2-.Ltmp2, $2  }
0xf: {  	_ =	sdelay $0x2  }
0x10: {  	p1 =	por $0x1, $0x1;
	s18 =	simm.s32 $0x0  }
.LBB2_6:
.Ltmp3:
0x11: {  	(pc) =	sbr.rel @!p0 .LBB2_7-.Ltmp3, $2  }
0x12: {  	_ =	sdelay $0x2  }
0x13: {  	s18 =	simm.s32 $0x20;
	p1 =	por $0x0, $0x0  }
.LBB2_2:
0x14: {  	s18 =	sor.u32 s7, s18  }
0x15: {  	p2 =	sgt.u32 s18, $0x21  }
.Ltmp4:
0x16: {  	_ = 	snop;
	(pc) =	sbr.rel @p2 .LBB2_6-.Ltmp4, $2  }
0x17: {  	_ =	sdelay $0x2  }
0x18: {  	p0 =	por p1, p1  }
0x19: {  	s18 =	sor.u32 s2, s18  }
0x1a: {  	s19 =	smulhi.u32 $0xF0F0F0F1, s18;
	_ =	sdelay $0x1  }
0x1b: {  	s19 =	sshrl.u32 s19, $0x4  }
0x1c: {  	s20 =	smul.u32 $0x1800, s19;
	_ =	sdelay $0x1  }
0x1d: {  	s20 =	sshrl.u32 s20, $0x3  }
0x1e: {  	s21 =	simm.s32 $0x0;
	s20 =	sadd.s32 s4, s20  }
0x1f: {  	[tilespmem:s21], [sflag:$0x2] =	stream.linear.gather [hbm4b:s20+s21], $0x800, $0x38;
	[tilespmem:$0x3800] =	vst v63  }
0x20: {  	_ =	swait.ge [sflag:s9], $0x800  }
0x21: {  	[sflag:s9] =	ssyncset.done $0x0  }
0x22: {  	s22 =	sadd.s32 $0x100, s20;
	[sflag:s9] =	ssyncadd.s32 $0xFFFFF800  }
0x23: {  	[tilespmem:s10], [sflag:$0x2] =	stream.linear.gather [hbm4b:s22+s21], $0x800, $0x38;
	[tilespmem:$0x3800] =	vst v63  }
0x24: {  	_ =	swait.ge [sflag:s9], $0x800  }
0x25: {  	[sflag:s9] =	ssyncset.done $0x0  }
0x26: {  	s20 =	sadd.s32 $0x200, s20;
	[sflag:s9] =	ssyncadd.s32 $0xFFFFF800  }
0x27: {  	[tilespmem:s11], [sflag:$0x2] =	stream.linear.gather [hbm4b:s20+s21], $0x800, $0x38;
	[tilespmem:$0x3800] =	vst v63  }
0x28: {  	_ =	swait.ge [sflag:s9], $0x800  }
0x29: {  	s31 =	sshll.u32 s18, $0x8;
	[sflag:s9] =	ssyncset.done $0x0  }
0x2a: {  	s20 =	sadd.s32 s5, s31;
	[sflag:s9] =	ssyncadd.s32 $0xFFFFF800  }
0x2b: {  	[tilespmem:s12], [sflag:$0x2] =	stream.linear.gather [hbm4b:s20+s21], $0x800, $0x38;
	[tilespmem:$0x3800] =	vst v63  }
0x2c: {  	_ =	swait.ge [sflag:s9], $0x800  }
0x2d: {  	[sflag:s9] =	ssyncset.done $0x0  }
0x2e: {  	s20 =	simm.s32 $0x0;
	[sflag:s9] =	ssyncadd.s32 $0xFFFFF800  }
0x2f: {  	v1 =	vld [tilespmem:s20+$0x1800];
	_ =	sdelay $0x6  }
0x30: {  	v2 =	vld [tilespmem:s20+$0x0]  }
0x31: {  	v0 =	vld.idx.msk [tilespmem:v1+s1+$0x0], $0xffff;
	_ =	sdelay $0x4  }
0x32: {  	v0 =	vsub.f32 v0, v2;
	_ =	sdelay $0x1  }
0x33: {  	v2 =	vld [tilespmem:s20+$0x800];
	[tilespmem:s20+$0x2000] =	vst v0  }
0x34: {  	v0 =	vld.idx.msk [tilespmem:v1+s10+$0x0], $0xffff;
	_ =	sdelay $0x4  }
0x35: {  	v0 =	vsub.f32 v0, v2;
	_ =	sdelay $0x1  }
0x36: {  	[tilespmem:s20+$0x2800] =	vst v0;
	v0 =	vld [tilespmem:s20+$0x1000]  }
0x37: {  	s22 =	simm.s32 $0x10;
	s21 =	simm.s32 $0x80;
	v1 =	vld.idx.msk [tilespmem:v1+s11+$0x0], $0xffff  }
.LBB2_4:
0x38: {  	p1 =	sne.s32 s21, $0x1FC0;
	v2 =	vld [tilespmem:s22+$0x1800];
	_ =	sdelay $0x4  }
0x39: {  	v0 =	vsub.f32 v1, v0;
	_ =	sdelay $0x1  }
0x3a: {  	[tilespmem:s20+$0x3000] =	vst v0;
	s20 =	smov.u32 s22  }
0x3b: {  	v0 =	vld.idx.msk [tilespmem:v2+s1+$0x0], $0xffff  }
0x3c: {  	v1 =	vld [tilespmem:s20+$0x0];
	_ =	sdelay $0x4  }
0x3d: {  	v0 =	vsub.f32 v0, v1;
	_ =	sdelay $0x1  }
0x3e: {  	[tilespmem:s20+$0x2000] =	vst v0  }
0x3f: {  	v0 =	vld.idx.msk [tilespmem:v2+s10+$0x0], $0xffff  }
0x40: {  	v1 =	vld [tilespmem:s20+$0x800];
	_ =	sdelay $0x3  }
.Ltmp5:
0x41: {  	(pc) =	sbr.rel @p1 .LBB2_4-.Ltmp5, $3  }
0x42: {  	v0 =	vsub.f32 v0, v1;
	_ =	sdelay $0x1  }
0x43: {  	[tilespmem:s20+$0x2800] =	vst v0;
	v0 =	vld [tilespmem:s20+$0x1000]  }
0x44: {  	s22 =	sshra.s32 s21, $0x2;
	s21 =	sadd.s32 $0x40, s21;
	v1 =	vld.idx.msk [tilespmem:v2+s11+$0x0], $0xffff  }
0x45: {  	v2 =	vld [tilespmem:s22+$0x1800];
	_ =	sdelay $0x3  }
0x46: {  	v0 =	vsub.f32 v1, v0;
	_ =	sdelay $0x1  }
0x47: {  	[tilespmem:s20+$0x3000] =	vst v0  }
0x48: {  	v60 =	vld [tilespmem:s22+$0x0]  }
0x49: {  	v0 =	vld.idx.msk [tilespmem:v2+s1+$0x0], $0xffff;
	_ =	sdelay $0x4  }
0x4a: {  	v0 =	vsub.f32 v0, v60;
	_ =	sdelay $0x1  }
0x4b: {  	v61 =	vld [tilespmem:s22+$0x800];
	[tilespmem:s22+$0x2000] =	vst v0  }
0x4c: {  	v0 =	vld.idx.msk [tilespmem:v2+s10+$0x0], $0xffff;
	_ =	sdelay $0x4  }
0x4d: {  	v0 =	vsub.f32 v0, v61;
	_ =	sdelay $0x1  }
0x4e: {  	v62 =	vld [tilespmem:s22+$0x1000];
	[tilespmem:s22+$0x2800] =	vst v0  }
0x4f: {  	v63 =	vld.idx.msk [tilespmem:v2+s11+$0x0], $0xffff;
	_ =	sdelay $0x2  }
0x50: {  	s19 =	smul.u32 $0x55, s19;
	_ =	sdelay $0x1  }
0x51: {  	s18 =	sadd.s32 s18, s19;
	v0 =	vsub.f32 v63, v62  }
0x52: {  	s18 =	sshll.u32 s18, $0x8  }
0x53: {  	s26 =	sadd.s32 s6, s18;
	[tilespmem:s22+$0x3000] =	vst v0  }
0x54: {  	[hbm4b:s26+s1] =	stream.linear.scatter [tilespmem:s1], [sflag:$0x2], $0x800, $0x38;
	[tilespmem:$0x3800] =	vst v63  }
0x55: {  	s18 =	sand.u32 $0x1FFFFF00, s18;
	_ =	swait.ge [sflag:s9], $0x800  }
0x56: {  	s18 =	sadd.s32 s6, s18;
	[sflag:s9] =	ssyncset.done $0x0  }
0x57: {  	s28 =	sadd.s32 $0x1100, s18;
	[sflag:s9] =	ssyncadd.s32 $0xFFFFF800  }
0x58: {  	[hbm4b:s28+s1] =	stream.linear.scatter [tilespmem:s10], [sflag:$0x2], $0x800, $0x38;
	[tilespmem:$0x3800] =	vst v63  }
0x59: {  	_ =	swait.ge [sflag:s9], $0x800  }
0x5a: {  	[sflag:s9] =	ssyncset.done $0x0  }
0x5b: {  	s29 =	sadd.s32 $0x2200, s18;
	[sflag:s9] =	ssyncadd.s32 $0xFFFFF800  }
0x5c: {  	[hbm4b:s29+s1] =	stream.linear.scatter [tilespmem:s11], [sflag:$0x2], $0x800, $0x38;
	[tilespmem:$0x3800] =	vst v63  }
0x5d: {  	_ =	swait.ge [sflag:s9], $0x800  }
0x5e: {  	[sflag:s9] =	ssyncset.done $0x0  }
0x5f: {  	s30 =	sadd.s32 $0x3300, s18;
	[sflag:s9] =	ssyncadd.s32 $0xFFFFF800  }
0x60: {  	[hbm4b:s30+s1] =	stream.linear.scatter [tilespmem:s13], [sflag:$0x2], $0x800, $0x38;
	[tilespmem:$0x3800] =	vst v63  }
0x61: {  	_ =	swait.ge [sflag:s9], $0x800  }
0x62: {  	[sflag:s9] =	ssyncset.done $0x0  }
0x63: {  	s31 =	sadd.s32 $0x4400, s18;
	[sflag:s9] =	ssyncadd.s32 $0xFFFFF800  }
0x64: {  	[hbm4b:s31+s1] =	stream.linear.scatter [tilespmem:s14], [sflag:$0x2], $0x800, $0x38;
	[tilespmem:$0x3800] =	vst v63  }
0x65: {  	_ =	swait.ge [sflag:s9], $0x800  }
0x66: {  	[sflag:s9] =	ssyncset.done $0x0  }
.Ltmp6:
0x67: {  	s18 =	sadd.s32 $0x5500, s18;
	[sflag:s9] =	ssyncadd.s32 $0xFFFFF800;
	(pc) =	sbr.rel .LBB2_6-.Ltmp6, $4  }
0x68: {  	[hbm4b:s18+s1] =	stream.linear.scatter [tilespmem:s15], [sflag:$0x1], $0x800, $0x38;
	[tilespmem:$0x3800] =	vst v63  }
0x69: {  	_ =	swait.ge [sflag:s16], $0x800  }
0x6a: {  	[sflag:s16] =	ssyncset.done $0x0  }
0x6b: {  	[sflag:s16] =	ssyncadd.s32 $0xFFFFF800  }
.LBB2_8:
0x6c: {  	_ =	sfence.sel $0x180000  }
0x6d: {  	[bflag:$0x0] =	sbarrier.arrive $0xFFFF  }
0x6e: {  	p0 =	sne.s32 s3, $0x0;
	_ =	strace $0x90000047  }
0x6f: {  	s0 =	sadd.s32 @!p0 $0x100000, s0;
	[bflag:$0x2] =	sbarrier.arrive $0xFFFF  }
0x70: {  	[sflag:s0] =	ssyncadd.tile.s32 @!p0 $0x1;
	_ =	shalt  }
.Lfunc_end2:
_tile_overlayer_lowered:
.L_overlay_start_2:
0x71: {  	(tag) =	ssettag $0x2  }
0x72: {  	s0 =	rddreg [dreg:$0x0];
	s2 =	stileid.u32  }
0x73: {  	s1 =	rddreg [dreg:$0x1];
	p0 =	sne.s32 s2, $0x0  }
0x74: {  	s3 =	rddreg [dreg:$0x2];
	[bflag:$0x3] =	sbarrier.arrive $0xFFFF;
	s2 =	simm.s32 @!p0 $0x1C01  }
0x75: {  	[timem:s3], [sflag:s2] =	dma.local @!p0 [hbm:s0], s1  }
0x76: {  	s0 =	simm.s32 @!p0 $0x1  }
0x77: {  	_ =	swait.ge @!p0 [sflag:s0], s1  }
0x78: {  	s1 =	ssub.s32 @!p0 $0x0, s1;
	[sflag:s0] =	ssyncset.done @!p0 $0x0  }
0x79: {  	[sflag:s0] =	ssyncadd.s32 @!p0 s1  }
0x7a: {  	[bflag:$0x3] =	sbarrier.arrive $0xFFFF  }
0x7b: {  	_ =	shalt  }

// kernel: kernel.13.cloned.1.call-start
scs
__scs_entry_jumppad:
0x0: {  	(pc) =	sbr.rel $0x88, $3  }
0x1: {  	(tag) =	ssettag $0x0;
	lr =	simm.s32 $0x1  }
0x2: {  	[smem:$0x3FA0] =	sst lr;
	_ =	strace $0xD0000000  }
0x3: {  	_ = 	snop  }
0x4: {  	_ = 	snop  }
0x5: {  	_ = 	snop  }
0x6: {  	_ = 	snop  }
0x7: {  	_ = 	snop  }
__scs_overlays_trampoline_lowered:
0x8: {  	[smem:$0x3FAF] =	sst s0  }
0x9: {  	[smem:$0x3FB0] =	sst s1  }
0xa: {  	[smem:$0x3FB1] =	sst s2  }
0xb: {  	[smem:$0x3FB2] =	sst s3  }
0xc: {  	[smem:$0x3FB3] =	sst s4  }
0xd: {  	[smem:$0x3FB4] =	sst s5  }
0xe: {  	[smem:$0x3FB5] =	sst s6  }
0xf: {  	[smem:$0x3FB6] =	sst s7  }
0x10: {  	[smem:$0x3FB7] =	sst s8  }
0x11: {  	[smem:$0x3FB8] =	sst s9;
	s0 =	simm.s32 @!p0 $0x0  }
0x12: {  	s1 =	sld [smem:$0x3F9E];
	s0 =	simm.s32 @p0 $0x1  }
0x13: {  	[smem:$0x3FB9] =	sst s0;
	s0 =	simm.s32 @!p1 $0x0  }
0x14: {  	s2 =	sld [smem:$0x3F9D];
	s0 =	simm.s32 @p1 $0x1  }
0x15: {  	[smem:$0x3FBA] =	sst s0;
	s0 =	simm.s32 @!p2 $0x0  }
0x16: {  	s3 =	sld [smem:$0x3FDB];
	s0 =	simm.s32 @p2 $0x1  }
0x17: {  	s4 =	simm.s32 $0x1BF5;
	[smem:$0x3FBC] =	sst s0  }
0x18: {  	s0 =	sld [smem:$0x3F9F];
	_ =	swait.ge [sflag:s4], $0x0  }
0x19: {  	s7 =	sld [smem:$0x3FA0]  }
0x1a: {  	s8 =	sadd.s32 $0xFFFFE003, lr  }
0x1b: {  	s9 =	sadd.s32 $0xFFFFFEF7, lr;
	s5 =	simm.s32 $0xFFFFFFFF;
	p2 =	slt.u32 s8, $0xFFFFF086  }
0x1c: {  	p1 =	slt.u32 s9, $0xF7A;
	s5 =	simm.s32 @!p2 $0x0  }
0x1d: {  	s5 =	simm.s32 @p1 $0x1;
	p0 =	seq.s32 s7, s2  }
0x1e: {  	s7 =	smul.u32 @!p0 $0xF7A, s2;
	p2 =	seq.s32 @!p0 s5, $0x0  }
0x1f: {  	s9 =	smul.u32 $0xF7A, s1;
	s8 =	simm.s32 @!p0 $0x1BF5;
	p2 =	por !p2, p0  }
0x20: {  	[sflag:s8] =	ssyncset.s32 @!p0 $0xFFFFF086;
	s6 =	sadd.s32 @!p0 s3, s7;
	s7 =	simm.s32 @!p0 $0x108  }
0x21: {  	s3 =	sadd.s32 s3, s9;
	s6 =	sadd.s32 @!p0 $0x88, s6;
	s7 =	simm.s32 @p2 $0x1082  }
0x22: {  	[simem:s7], [sflag:s8] =	dma.local @!p0 [hbm:s6], $0xF7A  }
0x23: {  	s9 =	sor.u32 $0xD0000000, s2;
	s6 =	simm.s32 $0x108;
	_ =	swait.ge @!p0 [sflag:s8], $0x0  }
0x24: {  	s3 =	sadd.s32 $0x88, s3;
	s6 =	simm.s32 @!p1 $0x1082;
	[sflag:s4] =	ssyncset.s32 $0xFFFFF086  }
0x25: {  	[simem:s6], [sflag:s4] =	dma.local [hbm:s3], $0xF7A  }
0x26: {  	[smem:$0x3FA0] =	sst s1;
	(tag) =	ssettag s2;
	_ =	strace s9  }
0x27: {  	s1 =	sld [smem:$0x3FB0]  }
0x28: {  	s2 =	sld [smem:$0x3FB1]  }
0x29: {  	s4 =	sld [smem:$0x3FB3]  }
0x2a: {  	p0 =	seq.s32 s5, $0x0;
	s5 =	sld [smem:$0x3FB4]  }
0x2b: {  	s6 =	sld [smem:$0x3FB5]  }
0x2c: {  	s7 =	sld [smem:$0x3FB6]  }
0x2d: {  	s3 =	simm.s32 $0x108;
	s8 =	sld [smem:$0x3FB7]  }
0x2e: {  	s3 =	simm.s32 @!p0 $0x1082;
	s9 =	sld [smem:$0x3FB8]  }
0x2f: {  	lr =	sadd.s32 s0, s3;
	s0 =	sld [smem:$0x3FAF]  }
0x30: {  	s3 =	sld [smem:$0x3FB2]  }
0x31: {  	[smem:$0x3FBB] =	sst s10  }
0x32: {  	s10 =	sld [smem:$0x3FB9];
	_ =	sdelay $0x3  }
0x33: {  	p0 =	seq.s32 s10, $0x1;
	s10 =	sld [smem:$0x3FBB];
	_ =	sdelay $0x3  }
0x34: {  	[smem:$0x3FBB] =	sst s10  }
0x35: {  	s10 =	sld [smem:$0x3FBA];
	_ =	sdelay $0x3  }
0x36: {  	p1 =	seq.s32 s10, $0x1;
	s10 =	sld [smem:$0x3FBB];
	_ =	sdelay $0x3  }
0x37: {  	[smem:$0x3FBB] =	sst s10  }
0x38: {  	s10 =	sld [smem:$0x3FBC]  }
0x39: {  	_ = 	snop;
	(pc) =	sbr.ind lr, $3  }
0x3a: {  	_ = 	snop  }
0x3b: {  	_ = 	snop  }
0x3c: {  	p2 =	seq.s32 s10, $0x1;
	s10 =	sld [smem:$0x3FBB]  }
0x3d: {  	_ =	shalt  }
0x3e: {  	_ =	shalt  }
0x3f: {  	_ =	shalt  }
0x40: {  	_ =	shalt  }
0x41: {  	_ =	shalt  }
0x42: {  	_ =	shalt  }
0x43: {  	_ =	shalt  }
0x44: {  	_ =	shalt  }
0x45: {  	_ =	shalt  }
0x46: {  	_ =	shalt  }
0x47: {  	_ =	shalt  }
0x48: {  	_ =	shalt  }
0x49: {  	_ =	shalt  }
0x4a: {  	_ =	shalt  }
0x4b: {  	_ =	shalt  }
0x4c: {  	_ =	shalt  }
0x4d: {  	_ =	shalt  }
0x4e: {  	_ =	shalt  }
0x4f: {  	_ =	shalt  }
0x50: {  	_ =	shalt  }
0x51: {  	_ =	shalt  }
0x52: {  	_ =	shalt  }
0x53: {  	_ =	shalt  }
0x54: {  	_ =	shalt  }
0x55: {  	_ =	shalt  }
0x56: {  	_ =	shalt  }
0x57: {  	_ =	shalt  }
0x58: {  	_ =	shalt  }
0x59: {  	_ =	shalt  }
0x5a: {  	_ =	shalt  }
0x5b: {  	_ =	shalt  }
0x5c: {  	_ =	shalt  }
0x5d: {  	_ =	shalt  }
0x5e: {  	_ =	shalt  }
0x5f: {  	_ =	shalt  }
0x60: {  	_ =	shalt  }
0x61: {  	_ =	shalt  }
0x62: {  	_ =	shalt  }
0x63: {  	_ =	shalt  }
0x64: {  	_ =	shalt  }
0x65: {  	_ =	shalt  }
0x66: {  	_ =	shalt  }
0x67: {  	_ =	shalt  }
0x68: {  	_ =	shalt  }
0x69: {  	_ =	shalt  }
0x6a: {  	_ =	shalt  }
0x6b: {  	_ =	shalt  }
0x6c: {  	_ =	shalt  }
0x6d: {  	_ =	shalt  }
0x6e: {  	_ =	shalt  }
0x6f: {  	_ =	shalt  }
0x70: {  	_ =	shalt  }
0x71: {  	_ =	shalt  }
0x72: {  	_ =	shalt  }
0x73: {  	_ =	shalt  }
0x74: {  	_ =	shalt  }
0x75: {  	_ =	shalt  }
0x76: {  	_ =	shalt  }
0x77: {  	_ =	shalt  }
0x78: {  	_ =	shalt  }
0x79: {  	_ =	shalt  }
0x7a: {  	_ =	shalt  }
0x7b: {  	_ =	shalt  }
0x7c: {  	_ =	shalt  }
0x7d: {  	_ =	shalt  }
0x7e: {  	_ =	shalt  }
0x7f: {  	_ =	shalt  }
0x80: {  	_ =	shalt  }
0x81: {  	_ =	shalt  }
0x82: {  	_ =	shalt  }
0x83: {  	_ =	shalt  }
0x84: {  	_ =	shalt  }
0x85: {  	_ =	shalt  }
0x86: {  	_ =	shalt  }
0x87: {  	_ =	shalt  }
.Lfunc_end0:
.L_simem_size_0:
called_computation.1_lowered:
.L_overlay_start_0:
0x88: {  	s2 =	sld [smem:$0x3FD9]  }
0x89: {  	s3 =	sld [smem:$0x3FFE];
	_ =	sdelay $0x1  }
0x8a: {  	s1 =	srdreg.scid  }
0x8b: {  	s0 =	sand.u32 $0x1, s1  }
0x8c: {  	s17 =	sshll.u32 s0, $0xA;
	s2 =	sadd.s32 s3, s2  }
0x8d: {  	s2 =	sadd.s32 s2, s17  }
0x8e: {  	[smem:$0x3FC7] =	sst s2  }
0x8f: {  	_ = 	snop  }
0x90: {  	(tm) =	ssettm $0x1  }
0x91: {  	s18 =	sld [smem:$0x3FFB];
	_ =	sdelay $0x3  }
0x92: {  	_ =	strace s18  }
0x93: {  	s2 =	sld [smem:$0x3FFC];
	_ =	sdelay $0x3  }
0x94: {  	_ =	strace s2  }
0x95: {  	s2 =	sld [smem:$0x3FFD];
	_ =	sdelay $0x3  }
0x96: {  	_ =	strace s2  }
0x97: {  	_ =	strace $0x8FFFFFFF  }
0x98: {  	s19 =	sld [smem:$0x3FDB];
	_ =	sdelay $0x1  }
0x99: {  	s20 =	simm.s32 $_scs_section_size  }
0x9a: {  	s4 =	simm.s32 $_size__tile_overlayer_lowered;
	s5 =	simm.s32 $_tile_overlayer_lowered  }
0x9b: {  	s6 =	simm.s32 $0x1BFF;
	s21 =	sshll.u32 s5, $0x1;
	s3 =	sadd.s32 s20, s19  }
0x9c: {  	s22 =	simm.s32 $0x0;
	s4 =	sshll.u32 s4, $0x1;
	s5 =	sadd.s32 s21, s3  }
0x9d: {  	[timem:s22], [sflag:s6] =	dma.local [hbm:s5], s4  }
0x9e: {  	_ =	swait.ge [sflag:s6], s4  }
0x9f: {  	s4 =	ssub.s32 $0x0, s4;
	[sflag:s6] =	ssyncset.done $0x0  }
0xa0: {  	[sflag:s6] =	ssyncadd.s32 s4;
	_ =	sdelay $0x1  }
0xa1: {  	s23 =	simm.s32 $0x1B8B  }
0xa2: {  	_ =	swait.ge [sflag:s23], $0x1  }
0xa3: {  	[sflag:s23] =	ssyncset.done $0x0  }
0xa4: {  	[sflag:s23] =	ssyncadd.s32 $0xFFFFFFFF  }
0xa5: {  	s4 =	sld [smem:$0x0]  }
0xa6: {  	s5 =	sand.u32 $0xFFFFFFFE, s1  }
0xa7: {  	p0 =	sne.s32 s1, s5  }
0xa8: {  	s5 =	sshll.u32 @p0 s5, $0xE  }
0xa9: {  	s5 =	sadd.s32 @p0 $0x11B8D, s5;
	s6 =	sshll.u32 @p0 s4, $0x11  }
0xaa: {  	s5 =	sor.u32 @p0 s6, s5  }
0xab: {  	[sflag:s5] =	ssyncadd.remote.s32 @p0 $0x1;
	_ =	sdelay $0x1  }
0xac: {  	s5 =	simm.s32 @p0 $0x1B8D  }
0xad: {  	_ =	swait.eq @p0 [sflag:s5], $0x1  }
0xae: {  	[sflag:s5] =	ssyncadd.s32 @p0 $0xFFFFFFFF  }
0xaf: {  	s6 =	sshll.u32 @!p0 s1, $0xE  }
0xb0: {  	s6 =	sor.u32 @!p0 $0x4000, s6;
	s5 =	simm.s32 @!p0 $0x1B8D  }
0xb1: {  	s4 =	sshll.u32 @!p0 s4, $0x11;
	s6 =	sadd.s32 @!p0 $0x11B8D, s6;
	_ =	swait.eq @!p0 [sflag:s5], $0x1  }
0xb2: {  	s4 =	sor.u32 @!p0 s4, s6;
	[sflag:s5] =	ssyncadd.s32 @!p0 $0xFFFFFFFF  }
0xb3: {  	s25 =	simm.s32 $0x1B8E;
	s24 =	sld [smem:$0x3FFE];
	[sflag:s4] =	ssyncadd.remote.s32 @!p0 $0x1  }
0xb4: {  	s26 =	simm.s32 $execute0_lowered;
	[smem:$0x3FD2] =	sst s25  }
0xb5: {  	s5 =	sshll.u32 s26, $0x1;
	_ =	strace $0x8000004C;
	[dreg:$0x1] =	wrdreg $0xFFFFFFFF  }
0xb6: {  	s28 =	simm.s32 $_size_execute0_lowered;
	s3 =	sadd.s32 s3, s5;
	[dreg:$0x0] =	wrdreg $0x0  }
0xb7: {  	s5 =	sshll.u32 s28, $0x1;
	[dreg:$0x2] =	wrdreg s3  }
0xb8: {  	[dreg:$0x3] =	wrdreg s5  }
0xb9: {  	[dreg:$0x4] =	wrdreg $0xC0  }
0xba: {  	_ =	task [dreg:s22], $0x5FFFF  }
0xbb: {  	[dreg:$0x1] =	wrdreg $0xFFFFFFFF  }
0xbc: {  	[dreg:$0x0] =	wrdreg $0x60  }
0xbd: {  	[dreg:$0x2] =	wrdreg s24  }
0xbe: {  	[dreg:$0x3] =	wrdreg $0xA  }
0xbf: {  	_ =	task.clear_ibuf [dreg:s22], $0x4FFFF;
	_ =	strace $0x9000004C  }
0xc0: {  	s29 =	simm.s32 $0xA;
	_ =	strace $0x8000004E  }
0xc1: {  	_ =	swait.ge [sflag:s29], $0x1  }
0xc2: {  	[sflag:s29] =	ssyncadd.s32 $0xFFFFFFFF  }
0xc3: {  	_ =	strace $0x9000004E  }
0xc4: {  	_ =	sfence  }
0xc5: {  	s30 =	sld [smem:$0x0];
	_ =	sdelay $0x2  }
0xc6: {  	s31 =	sshll.u32 s1, $0xD;
	s1 =	sshrl.u32 s1, $0x2  }
0xc7: {  	s4 =	sand.u32 $0x4000, s31;
	s1 =	sadd.s32 s1, s30  }
0xc8: {  	s0 =	sor.u32 s4, s0;
	s1 =	sshll.u32 s1, $0x11  }
0xc9: {  	s0 =	sor.u32 s1, s0  }
0xca: {  	s0 =	sadd.s32 $0x8F2B, s0  }
0xcb: {  	[sflag:s0] =	ssyncadd.remote.s32 $0x1  }
0xcc: {  	_ =	sfence.sel $0xFFFF  }
0xcd: {  	[dreg:$0x0] =	wrdreg $0xFFFFFFFF;
	(pc) =	sbr.abs _section_cstart, $3  }
0xce: {  	[dreg:$0x1] =	wrdreg $0xFFFFFFFF  }
0xcf: {  	_ =	task.clear_ibuf [dreg:s22], $0x2FFFF;
	_ =	strace $0x9FFFFFFF  }
0xd0: {  	(tm) =	ssettm $0x7FFFFFFF  }
0xd1: {  	_ =	shalt  }
tec
execute0_lowered:
.L_overlay_start_1:
0x0: {  	(tag) =	ssettag $0x1  }
0x1: {  	s6 =	rddreg [dreg:$0x0];
	s2 =	srdreg.scid  }
0x2: {  	s0 =	rddreg [dreg:$0x1];
	s1 =	simm.s32 $0x0;
	s3 =	stileid.u32  }
0x3: {  	s9 =	simm.s32 $0x2;
	s10 =	simm.s32 $0x800;
	s11 =	simm.s32 $0x1000  }
0x4: {  	s12 =	simm.s32 $0x1800;
	s13 =	simm.s32 $0x2000;
	s14 =	simm.s32 $0x2800  }
.Ltmp0:
0x5: {  	s15 =	simm.s32 $0x3000;
	s2 =	sand.u32 $0x1, s2;
	(pc) =	sbr.rel .LBB2_1-.Ltmp0, $4  }
0x6: {  	s16 =	simm.s32 $0x1;
	s17 =	simm.s32 $0x0;
	s7 =	ssub.s32 $0x2, s2  }
0x7: {  	[smem:$0x7FF] =	sst s1;
	s4 =	sadd.s32 $0x1FA00, s6;
	s8 =	sshrl.u32 s7, $0x1  }
0x8: {  	s5 =	sadd.s32 $0x20000, s6;
	s6 =	sadd.s32 $0x22200, s6;
	s8 =	ssub.s32 s7, s8  }
0x9: {  	_ =	strace $0x8000004D;
	s7 =	sshll.u32 s3, $0x1;
	s8 =	smax.u32 s8, $0x1  }
.LBB2_7:
0xa: {  	s17 =	sadd.s32 $0x1, s17  }
0xb: {  	p0 =	sne.s32 s17, s8  }
.Ltmp1:
0xc: {  	_ = 	snop;
	(pc) =	sbr.rel @!p0 .LBB2_8-.Ltmp1, $1  }
0xd: {  	_ =	sdelay $0x3  }
.LBB2_1:
.Ltmp2:
0xe: {  	(pc) =	sbr.rel .LBB2_2-.Ltmp2, $2  }
0xf: {  	_ =	sdelay $0x2  }
0x10: {  	p1 =	por $0x1, $0x1;
	s18 =	simm.s32 $0x0  }
.LBB2_6:
.Ltmp3:
0x11: {  	(pc) =	sbr.rel @!p0 .LBB2_7-.Ltmp3, $2  }
0x12: {  	_ =	sdelay $0x2  }
0x13: {  	s18 =	simm.s32 $0x20;
	p1 =	por $0x0, $0x0  }
.LBB2_2:
0x14: {  	s18 =	sor.u32 s7, s18  }
0x15: {  	p2 =	sgt.u32 s18, $0x21  }
.Ltmp4:
0x16: {  	_ = 	snop;
	(pc) =	sbr.rel @p2 .LBB2_6-.Ltmp4, $2  }
0x17: {  	_ =	sdelay $0x2  }
0x18: {  	p0 =	por p1, p1  }
0x19: {  	s18 =	sor.u32 s2, s18  }
0x1a: {  	s19 =	smulhi.u32 $0xF0F0F0F1, s18;
	_ =	sdelay $0x1  }
0x1b: {  	s19 =	sshrl.u32 s19, $0x4  }
0x1c: {  	s20 =	smul.u32 $0x1800, s19;
	_ =	sdelay $0x1  }
0x1d: {  	s20 =	sshrl.u32 s20, $0x3  }
0x1e: {  	s21 =	simm.s32 $0x0;
	s20 =	sadd.s32 s4, s20  }
0x1f: {  	[tilespmem:s21], [sflag:$0x2] =	stream.linear.gather [hbm4b:s20+s21], $0x800, $0x38;
	[tilespmem:$0x3800] =	vst v63  }
0x20: {  	_ =	swait.ge [sflag:s9], $0x800  }
0x21: {  	[sflag:s9] =	ssyncset.done $0x0  }
0x22: {  	s22 =	sadd.s32 $0x100, s20;
	[sflag:s9] =	ssyncadd.s32 $0xFFFFF800  }
0x23: {  	[tilespmem:s10], [sflag:$0x2] =	stream.linear.gather [hbm4b:s22+s21], $0x800, $0x38;
	[tilespmem:$0x3800] =	vst v63  }
0x24: {  	_ =	swait.ge [sflag:s9], $0x800  }
0x25: {  	[sflag:s9] =	ssyncset.done $0x0  }
0x26: {  	s20 =	sadd.s32 $0x200, s20;
	[sflag:s9] =	ssyncadd.s32 $0xFFFFF800  }
0x27: {  	[tilespmem:s11], [sflag:$0x2] =	stream.linear.gather [hbm4b:s20+s21], $0x800, $0x38;
	[tilespmem:$0x3800] =	vst v63  }
0x28: {  	_ =	swait.ge [sflag:s9], $0x800  }
0x29: {  	s31 =	sshll.u32 s18, $0x8;
	[sflag:s9] =	ssyncset.done $0x0  }
0x2a: {  	s20 =	sadd.s32 s5, s31;
	[sflag:s9] =	ssyncadd.s32 $0xFFFFF800  }
0x2b: {  	[tilespmem:s12], [sflag:$0x2] =	stream.linear.gather [hbm4b:s20+s21], $0x800, $0x38;
	[tilespmem:$0x3800] =	vst v63  }
0x2c: {  	_ =	swait.ge [sflag:s9], $0x800  }
0x2d: {  	[sflag:s9] =	ssyncset.done $0x0  }
0x2e: {  	s20 =	simm.s32 $0x0;
	[sflag:s9] =	ssyncadd.s32 $0xFFFFF800  }
0x2f: {  	v1 =	vld [tilespmem:s20+$0x1800];
	_ =	sdelay $0x6  }
0x30: {  	v2 =	vld [tilespmem:s20+$0x0]  }
0x31: {  	v0 =	vld.idx.msk [tilespmem:v1+s1+$0x0], $0xffff;
	_ =	sdelay $0x4  }
0x32: {  	v0 =	vsub.f32 v0, v2;
	_ =	sdelay $0x1  }
0x33: {  	v2 =	vld [tilespmem:s20+$0x800];
	[tilespmem:s20+$0x2000] =	vst v0  }
0x34: {  	v0 =	vld.idx.msk [tilespmem:v1+s10+$0x0], $0xffff;
	_ =	sdelay $0x4  }
0x35: {  	v0 =	vsub.f32 v0, v2;
	_ =	sdelay $0x1  }
0x36: {  	[tilespmem:s20+$0x2800] =	vst v0;
	v0 =	vld [tilespmem:s20+$0x1000]  }
0x37: {  	s22 =	simm.s32 $0x10;
	s21 =	simm.s32 $0x80;
	v1 =	vld.idx.msk [tilespmem:v1+s11+$0x0], $0xffff  }
.LBB2_4:
0x38: {  	p1 =	sne.s32 s21, $0x1FC0;
	v2 =	vld [tilespmem:s22+$0x1800];
	_ =	sdelay $0x4  }
0x39: {  	v0 =	vsub.f32 v1, v0;
	_ =	sdelay $0x1  }
0x3a: {  	[tilespmem:s20+$0x3000] =	vst v0;
	s20 =	smov.u32 s22  }
0x3b: {  	v0 =	vld.idx.msk [tilespmem:v2+s1+$0x0], $0xffff  }
0x3c: {  	v1 =	vld [tilespmem:s20+$0x0];
	_ =	sdelay $0x4  }
0x3d: {  	v0 =	vsub.f32 v0, v1;
	_ =	sdelay $0x1  }
0x3e: {  	[tilespmem:s20+$0x2000] =	vst v0  }
0x3f: {  	v0 =	vld.idx.msk [tilespmem:v2+s10+$0x0], $0xffff  }
0x40: {  	v1 =	vld [tilespmem:s20+$0x800];
	_ =	sdelay $0x3  }
.Ltmp5:
0x41: {  	(pc) =	sbr.rel @p1 .LBB2_4-.Ltmp5, $3  }
0x42: {  	v0 =	vsub.f32 v0, v1;
	_ =	sdelay $0x1  }
0x43: {  	[tilespmem:s20+$0x2800] =	vst v0;
	v0 =	vld [tilespmem:s20+$0x1000]  }
0x44: {  	s22 =	sshra.s32 s21, $0x2;
	s21 =	sadd.s32 $0x40, s21;
	v1 =	vld.idx.msk [tilespmem:v2+s11+$0x0], $0xffff  }
0x45: {  	v2 =	vld [tilespmem:s22+$0x1800];
	_ =	sdelay $0x3  }
0x46: {  	v0 =	vsub.f32 v1, v0;
	_ =	sdelay $0x1  }
0x47: {  	[tilespmem:s20+$0x3000] =	vst v0  }
0x48: {  	v60 =	vld [tilespmem:s22+$0x0]  }
0x49: {  	v0 =	vld.idx.msk [tilespmem:v2+s1+$0x0], $0xffff;
	_ =	sdelay $0x4  }
0x4a: {  	v0 =	vsub.f32 v0, v60;
	_ =	sdelay $0x1  }
0x4b: {  	v61 =	vld [tilespmem:s22+$0x800];
	[tilespmem:s22+$0x2000] =	vst v0  }
0x4c: {  	v0 =	vld.idx.msk [tilespmem:v2+s10+$0x0], $0xffff;
	_ =	sdelay $0x4  }
0x4d: {  	v0 =	vsub.f32 v0, v61;
	_ =	sdelay $0x1  }
0x4e: {  	v62 =	vld [tilespmem:s22+$0x1000];
	[tilespmem:s22+$0x2800] =	vst v0  }
0x4f: {  	v63 =	vld.idx.msk [tilespmem:v2+s11+$0x0], $0xffff;
	_ =	sdelay $0x2  }
0x50: {  	s19 =	smul.u32 $0x55, s19;
	_ =	sdelay $0x1  }
0x51: {  	s18 =	sadd.s32 s18, s19;
	v0 =	vsub.f32 v63, v62  }
0x52: {  	s18 =	sshll.u32 s18, $0x8  }
0x53: {  	s26 =	sadd.s32 s6, s18;
	[tilespmem:s22+$0x3000] =	vst v0  }
0x54: {  	[hbm4b:s26+s1] =	stream.linear.scatter [tilespmem:s1], [sflag:$0x2], $0x800, $0x38;
	[tilespmem:$0x3800] =	vst v63  }
0x55: {  	s18 =	sand.u32 $0x1FFFFF00, s18;
	_ =	swait.ge [sflag:s9], $0x800  }
0x56: {  	s18 =	sadd.s32 s6, s18;
	[sflag:s9] =	ssyncset.done $0x0  }
0x57: {  	s28 =	sadd.s32 $0x1100, s18;
	[sflag:s9] =	ssyncadd.s32 $0xFFFFF800  }
0x58: {  	[hbm4b:s28+s1] =	stream.linear.scatter [tilespmem:s10], [sflag:$0x2], $0x800, $0x38;
	[tilespmem:$0x3800] =	vst v63  }
0x59: {  	_ =	swait.ge [sflag:s9], $0x800  }
0x5a: {  	[sflag:s9] =	ssyncset.done $0x0  }
0x5b: {  	s29 =	sadd.s32 $0x2200, s18;
	[sflag:s9] =	ssyncadd.s32 $0xFFFFF800  }
0x5c: {  	[hbm4b:s29+s1] =	stream.linear.scatter [tilespmem:s11], [sflag:$0x2], $0x800, $0x38;
	[tilespmem:$0x3800] =	vst v63  }
0x5d: {  	_ =	swait.ge [sflag:s9], $0x800  }
0x5e: {  	[sflag:s9] =	ssyncset.done $0x0  }
0x5f: {  	s30 =	sadd.s32 $0x3300, s18;
	[sflag:s9] =	ssyncadd.s32 $0xFFFFF800  }
0x60: {  	[hbm4b:s30+s1] =	stream.linear.scatter [tilespmem:s13], [sflag:$0x2], $0x800, $0x38;
	[tilespmem:$0x3800] =	vst v63  }
0x61: {  	_ =	swait.ge [sflag:s9], $0x800  }
0x62: {  	[sflag:s9] =	ssyncset.done $0x0  }
0x63: {  	s31 =	sadd.s32 $0x4400, s18;
	[sflag:s9] =	ssyncadd.s32 $0xFFFFF800  }
0x64: {  	[hbm4b:s31+s1] =	stream.linear.scatter [tilespmem:s14], [sflag:$0x2], $0x800, $0x38;
	[tilespmem:$0x3800] =	vst v63  }
0x65: {  	_ =	swait.ge [sflag:s9], $0x800  }
0x66: {  	[sflag:s9] =	ssyncset.done $0x0  }
.Ltmp6:
0x67: {  	s18 =	sadd.s32 $0x5500, s18;
	[sflag:s9] =	ssyncadd.s32 $0xFFFFF800;
	(pc) =	sbr.rel .LBB2_6-.Ltmp6, $4  }
0x68: {  	[hbm4b:s18+s1] =	stream.linear.scatter [tilespmem:s15], [sflag:$0x1], $0x800, $0x38;
	[tilespmem:$0x3800] =	vst v63  }
0x69: {  	_ =	swait.ge [sflag:s16], $0x800  }
0x6a: {  	[sflag:s16] =	ssyncset.done $0x0  }
0x6b: {  	[sflag:s16] =	ssyncadd.s32 $0xFFFFF800  }
.LBB2_8:
0x6c: {  	_ =	sfence.sel $0x180000  }
0x6d: {  	[bflag:$0x0] =	sbarrier.arrive $0xFFFF  }
0x6e: {  	p0 =	sne.s32 s3, $0x0;
	_ =	strace $0x9000004D  }
0x6f: {  	s0 =	sadd.s32 @!p0 $0x100000, s0;
	[bflag:$0x2] =	sbarrier.arrive $0xFFFF  }
0x70: {  	[sflag:s0] =	ssyncadd.tile.s32 @!p0 $0x1;
	_ =	shalt  }
.Lfunc_end2:
_tile_overlayer_lowered:
.L_overlay_start_2:
0x71: {  	(tag) =	ssettag $0x2  }
0x72: {  	s0 =	rddreg [dreg:$0x0];
	s2 =	stileid.u32  }
0x73: {  	s1 =	rddreg [dreg:$0x1];
	p0 =	sne.s32 s2, $0x0  }
0x74: {  	s3 =	rddreg [dreg:$0x2];
	[bflag:$0x3] =	sbarrier.arrive $0xFFFF;
	s2 =	simm.s32 @!p0 $0x1C01  }
0x75: {  	[timem:s3], [sflag:s2] =	dma.local @!p0 [hbm:s0], s1  }
0x76: {  	s0 =	simm.s32 @!p0 $0x1  }
0x77: {  	_ =	swait.ge @!p0 [sflag:s0], s1  }
0x78: {  	s1 =	ssub.s32 @!p0 $0x0, s1;
	[sflag:s0] =	ssyncset.done @!p0 $0x0  }
0x79: {  	[sflag:s0] =	ssyncadd.s32 @!p0 s1  }
0x7a: {  	[bflag:$0x3] =	sbarrier.arrive $0xFFFF  }
0x7b: {  	_ =	shalt  }

// kernel: kernel.16.cloned.1.call-start
scs
__scs_entry_jumppad:
0x0: {  	(pc) =	sbr.rel $0x88, $3  }
0x1: {  	(tag) =	ssettag $0x0;
	lr =	simm.s32 $0x1  }
0x2: {  	[smem:$0x3FA0] =	sst lr;
	_ =	strace $0xD0000000  }
0x3: {  	_ = 	snop  }
0x4: {  	_ = 	snop  }
0x5: {  	_ = 	snop  }
0x6: {  	_ = 	snop  }
0x7: {  	_ = 	snop  }
__scs_overlays_trampoline_lowered:
0x8: {  	[smem:$0x3FAF] =	sst s0  }
0x9: {  	[smem:$0x3FB0] =	sst s1  }
0xa: {  	[smem:$0x3FB1] =	sst s2  }
0xb: {  	[smem:$0x3FB2] =	sst s3  }
0xc: {  	[smem:$0x3FB3] =	sst s4  }
0xd: {  	[smem:$0x3FB4] =	sst s5  }
0xe: {  	[smem:$0x3FB5] =	sst s6  }
0xf: {  	[smem:$0x3FB6] =	sst s7  }
0x10: {  	[smem:$0x3FB7] =	sst s8  }
0x11: {  	[smem:$0x3FB8] =	sst s9;
	s0 =	simm.s32 @!p0 $0x0  }
0x12: {  	s1 =	sld [smem:$0x3F9E];
	s0 =	simm.s32 @p0 $0x1  }
0x13: {  	[smem:$0x3FB9] =	sst s0;
	s0 =	simm.s32 @!p1 $0x0  }
0x14: {  	s2 =	sld [smem:$0x3F9D];
	s0 =	simm.s32 @p1 $0x1  }
0x15: {  	[smem:$0x3FBA] =	sst s0;
	s0 =	simm.s32 @!p2 $0x0  }
0x16: {  	s3 =	sld [smem:$0x3FDB];
	s0 =	simm.s32 @p2 $0x1  }
0x17: {  	s4 =	simm.s32 $0x1BF5;
	[smem:$0x3FBC] =	sst s0  }
0x18: {  	s0 =	sld [smem:$0x3F9F];
	_ =	swait.ge [sflag:s4], $0x0  }
0x19: {  	s7 =	sld [smem:$0x3FA0]  }
0x1a: {  	s8 =	sadd.s32 $0xFFFFE003, lr  }
0x1b: {  	s9 =	sadd.s32 $0xFFFFFEF7, lr;
	s5 =	simm.s32 $0xFFFFFFFF;
	p2 =	slt.u32 s8, $0xFFFFF086  }
0x1c: {  	p1 =	slt.u32 s9, $0xF7A;
	s5 =	simm.s32 @!p2 $0x0  }
0x1d: {  	s5 =	simm.s32 @p1 $0x1;
	p0 =	seq.s32 s7, s2  }
0x1e: {  	s7 =	smul.u32 @!p0 $0xF7A, s2;
	p2 =	seq.s32 @!p0 s5, $0x0  }
0x1f: {  	s9 =	smul.u32 $0xF7A, s1;
	s8 =	simm.s32 @!p0 $0x1BF5;
	p2 =	por !p2, p0  }
0x20: {  	[sflag:s8] =	ssyncset.s32 @!p0 $0xFFFFF086;
	s6 =	sadd.s32 @!p0 s3, s7;
	s7 =	simm.s32 @!p0 $0x108  }
0x21: {  	s3 =	sadd.s32 s3, s9;
	s6 =	sadd.s32 @!p0 $0x88, s6;
	s7 =	simm.s32 @p2 $0x1082  }
0x22: {  	[simem:s7], [sflag:s8] =	dma.local @!p0 [hbm:s6], $0xF7A  }
0x23: {  	s9 =	sor.u32 $0xD0000000, s2;
	s6 =	simm.s32 $0x108;
	_ =	swait.ge @!p0 [sflag:s8], $0x0  }
0x24: {  	s3 =	sadd.s32 $0x88, s3;
	s6 =	simm.s32 @!p1 $0x1082;
	[sflag:s4] =	ssyncset.s32 $0xFFFFF086  }
0x25: {  	[simem:s6], [sflag:s4] =	dma.local [hbm:s3], $0xF7A  }
0x26: {  	[smem:$0x3FA0] =	sst s1;
	(tag) =	ssettag s2;
	_ =	strace s9  }
0x27: {  	s1 =	sld [smem:$0x3FB0]  }
0x28: {  	s2 =	sld [smem:$0x3FB1]  }
0x29: {  	s4 =	sld [smem:$0x3FB3]  }
0x2a: {  	p0 =	seq.s32 s5, $0x0;
	s5 =	sld [smem:$0x3FB4]  }
0x2b: {  	s6 =	sld [smem:$0x3FB5]  }
0x2c: {  	s7 =	sld [smem:$0x3FB6]  }
0x2d: {  	s3 =	simm.s32 $0x108;
	s8 =	sld [smem:$0x3FB7]  }
0x2e: {  	s3 =	simm.s32 @!p0 $0x1082;
	s9 =	sld [smem:$0x3FB8]  }
0x2f: {  	lr =	sadd.s32 s0, s3;
	s0 =	sld [smem:$0x3FAF]  }
0x30: {  	s3 =	sld [smem:$0x3FB2]  }
0x31: {  	[smem:$0x3FBB] =	sst s10  }
0x32: {  	s10 =	sld [smem:$0x3FB9];
	_ =	sdelay $0x3  }
0x33: {  	p0 =	seq.s32 s10, $0x1;
	s10 =	sld [smem:$0x3FBB];
	_ =	sdelay $0x3  }
0x34: {  	[smem:$0x3FBB] =	sst s10  }
0x35: {  	s10 =	sld [smem:$0x3FBA];
	_ =	sdelay $0x3  }
0x36: {  	p1 =	seq.s32 s10, $0x1;
	s10 =	sld [smem:$0x3FBB];
	_ =	sdelay $0x3  }
0x37: {  	[smem:$0x3FBB] =	sst s10  }
0x38: {  	s10 =	sld [smem:$0x3FBC]  }
0x39: {  	_ = 	snop;
	(pc) =	sbr.ind lr, $3  }
0x3a: {  	_ = 	snop  }
0x3b: {  	_ = 	snop  }
0x3c: {  	p2 =	seq.s32 s10, $0x1;
	s10 =	sld [smem:$0x3FBB]  }
0x3d: {  	_ =	shalt  }
0x3e: {  	_ =	shalt  }
0x3f: {  	_ =	shalt  }
0x40: {  	_ =	shalt  }
0x41: {  	_ =	shalt  }
0x42: {  	_ =	shalt  }
0x43: {  	_ =	shalt  }
0x44: {  	_ =	shalt  }
0x45: {  	_ =	shalt  }
0x46: {  	_ =	shalt  }
0x47: {  	_ =	shalt  }
0x48: {  	_ =	shalt  }
0x49: {  	_ =	shalt  }
0x4a: {  	_ =	shalt  }
0x4b: {  	_ =	shalt  }
0x4c: {  	_ =	shalt  }
0x4d: {  	_ =	shalt  }
0x4e: {  	_ =	shalt  }
0x4f: {  	_ =	shalt  }
0x50: {  	_ =	shalt  }
0x51: {  	_ =	shalt  }
0x52: {  	_ =	shalt  }
0x53: {  	_ =	shalt  }
0x54: {  	_ =	shalt  }
0x55: {  	_ =	shalt  }
0x56: {  	_ =	shalt  }
0x57: {  	_ =	shalt  }
0x58: {  	_ =	shalt  }
0x59: {  	_ =	shalt  }
0x5a: {  	_ =	shalt  }
0x5b: {  	_ =	shalt  }
0x5c: {  	_ =	shalt  }
0x5d: {  	_ =	shalt  }
0x5e: {  	_ =	shalt  }
0x5f: {  	_ =	shalt  }
0x60: {  	_ =	shalt  }
0x61: {  	_ =	shalt  }
0x62: {  	_ =	shalt  }
0x63: {  	_ =	shalt  }
0x64: {  	_ =	shalt  }
0x65: {  	_ =	shalt  }
0x66: {  	_ =	shalt  }
0x67: {  	_ =	shalt  }
0x68: {  	_ =	shalt  }
0x69: {  	_ =	shalt  }
0x6a: {  	_ =	shalt  }
0x6b: {  	_ =	shalt  }
0x6c: {  	_ =	shalt  }
0x6d: {  	_ =	shalt  }
0x6e: {  	_ =	shalt  }
0x6f: {  	_ =	shalt  }
0x70: {  	_ =	shalt  }
0x71: {  	_ =	shalt  }
0x72: {  	_ =	shalt  }
0x73: {  	_ =	shalt  }
0x74: {  	_ =	shalt  }
0x75: {  	_ =	shalt  }
0x76: {  	_ =	shalt  }
0x77: {  	_ =	shalt  }
0x78: {  	_ =	shalt  }
0x79: {  	_ =	shalt  }
0x7a: {  	_ =	shalt  }
0x7b: {  	_ =	shalt  }
0x7c: {  	_ =	shalt  }
0x7d: {  	_ =	shalt  }
0x7e: {  	_ =	shalt  }
0x7f: {  	_ =	shalt  }
0x80: {  	_ =	shalt  }
0x81: {  	_ =	shalt  }
0x82: {  	_ =	shalt  }
0x83: {  	_ =	shalt  }
0x84: {  	_ =	shalt  }
0x85: {  	_ =	shalt  }
0x86: {  	_ =	shalt  }
0x87: {  	_ =	shalt  }
.Lfunc_end0:
.L_simem_size_0:
called_computation.2_lowered:
.L_overlay_start_0:
0x88: {  	s2 =	sld [smem:$0x3FD9]  }
0x89: {  	s3 =	sld [smem:$0x3FFE];
	_ =	sdelay $0x1  }
0x8a: {  	s1 =	srdreg.scid  }
0x8b: {  	s0 =	sand.u32 $0x1, s1  }
0x8c: {  	s17 =	sshll.u32 s0, $0xA;
	s2 =	sadd.s32 s3, s2  }
0x8d: {  	s2 =	sadd.s32 s2, s17  }
0x8e: {  	[smem:$0x3FC7] =	sst s2  }
0x8f: {  	_ = 	snop  }
0x90: {  	(tm) =	ssettm $0x1  }
0x91: {  	s18 =	sld [smem:$0x3FFB];
	_ =	sdelay $0x3  }
0x92: {  	_ =	strace s18  }
0x93: {  	s2 =	sld [smem:$0x3FFC];
	_ =	sdelay $0x3  }
0x94: {  	_ =	strace s2  }
0x95: {  	s2 =	sld [smem:$0x3FFD];
	_ =	sdelay $0x3  }
0x96: {  	_ =	strace s2  }
0x97: {  	_ =	strace $0x8FFFFFFF  }
0x98: {  	s19 =	sld [smem:$0x3FDB];
	_ =	sdelay $0x1  }
0x99: {  	s20 =	simm.s32 $_scs_section_size  }
0x9a: {  	s4 =	simm.s32 $_size__tile_overlayer_lowered;
	s5 =	simm.s32 $_tile_overlayer_lowered  }
0x9b: {  	s6 =	simm.s32 $0x1BFF;
	s21 =	sshll.u32 s5, $0x1;
	s3 =	sadd.s32 s20, s19  }
0x9c: {  	s22 =	simm.s32 $0x0;
	s4 =	sshll.u32 s4, $0x1;
	s5 =	sadd.s32 s21, s3  }
0x9d: {  	[timem:s22], [sflag:s6] =	dma.local [hbm:s5], s4  }
0x9e: {  	_ =	swait.ge [sflag:s6], s4  }
0x9f: {  	s4 =	ssub.s32 $0x0, s4;
	[sflag:s6] =	ssyncset.done $0x0  }
0xa0: {  	[sflag:s6] =	ssyncadd.s32 s4;
	_ =	sdelay $0x1  }
0xa1: {  	s23 =	simm.s32 $0x1B8B  }
0xa2: {  	_ =	swait.ge [sflag:s23], $0x1  }
0xa3: {  	[sflag:s23] =	ssyncset.done $0x0  }
0xa4: {  	[sflag:s23] =	ssyncadd.s32 $0xFFFFFFFF  }
0xa5: {  	s4 =	sld [smem:$0x0]  }
0xa6: {  	s5 =	sand.u32 $0xFFFFFFFE, s1  }
0xa7: {  	p0 =	sne.s32 s1, s5  }
0xa8: {  	s5 =	sshll.u32 @p0 s5, $0xE  }
0xa9: {  	s5 =	sadd.s32 @p0 $0x11B8D, s5;
	s6 =	sshll.u32 @p0 s4, $0x11  }
0xaa: {  	s5 =	sor.u32 @p0 s6, s5  }
0xab: {  	[sflag:s5] =	ssyncadd.remote.s32 @p0 $0x1;
	_ =	sdelay $0x1  }
0xac: {  	s5 =	simm.s32 @p0 $0x1B8D  }
0xad: {  	_ =	swait.eq @p0 [sflag:s5], $0x1  }
0xae: {  	[sflag:s5] =	ssyncadd.s32 @p0 $0xFFFFFFFF  }
0xaf: {  	s6 =	sshll.u32 @!p0 s1, $0xE  }
0xb0: {  	s6 =	sor.u32 @!p0 $0x4000, s6;
	s5 =	simm.s32 @!p0 $0x1B8D  }
0xb1: {  	s4 =	sshll.u32 @!p0 s4, $0x11;
	s6 =	sadd.s32 @!p0 $0x11B8D, s6;
	_ =	swait.eq @!p0 [sflag:s5], $0x1  }
0xb2: {  	s4 =	sor.u32 @!p0 s4, s6;
	[sflag:s5] =	ssyncadd.s32 @!p0 $0xFFFFFFFF  }
0xb3: {  	s25 =	simm.s32 $0x1B8E;
	s24 =	sld [smem:$0x3FFE];
	[sflag:s4] =	ssyncadd.remote.s32 @!p0 $0x1  }
0xb4: {  	s26 =	simm.s32 $execute0_lowered;
	[smem:$0x3FD2] =	sst s25  }
0xb5: {  	s5 =	sshll.u32 s26, $0x1;
	_ =	strace $0x80000049;
	[dreg:$0x1] =	wrdreg $0xFFFFFFFF  }
0xb6: {  	s28 =	simm.s32 $_size_execute0_lowered;
	s3 =	sadd.s32 s3, s5;
	[dreg:$0x0] =	wrdreg $0x0  }
0xb7: {  	s5 =	sshll.u32 s28, $0x1;
	[dreg:$0x2] =	wrdreg s3  }
0xb8: {  	[dreg:$0x3] =	wrdreg s5  }
0xb9: {  	[dreg:$0x4] =	wrdreg $0xC0  }
0xba: {  	_ =	task [dreg:s22], $0x5FFFF  }
0xbb: {  	[dreg:$0x1] =	wrdreg $0xFFFFFFFF  }
0xbc: {  	[dreg:$0x0] =	wrdreg $0x60  }
0xbd: {  	[dreg:$0x2] =	wrdreg s24  }
0xbe: {  	[dreg:$0x3] =	wrdreg $0xB  }
0xbf: {  	_ =	task.clear_ibuf [dreg:s22], $0x4FFFF;
	_ =	strace $0x90000049  }
0xc0: {  	s29 =	simm.s32 $0xB;
	_ =	strace $0x8000004B  }
0xc1: {  	_ =	swait.ge [sflag:s29], $0x1  }
0xc2: {  	[sflag:s29] =	ssyncadd.s32 $0xFFFFFFFF  }
0xc3: {  	_ =	strace $0x9000004B  }
0xc4: {  	_ =	sfence  }
0xc5: {  	s30 =	sld [smem:$0x0];
	_ =	sdelay $0x2  }
0xc6: {  	s31 =	sshll.u32 s1, $0xD;
	s1 =	sshrl.u32 s1, $0x2  }
0xc7: {  	s4 =	sand.u32 $0x4000, s31;
	s1 =	sadd.s32 s1, s30  }
0xc8: {  	s0 =	sor.u32 s4, s0;
	s1 =	sshll.u32 s1, $0x11  }
0xc9: {  	s0 =	sor.u32 s1, s0  }
0xca: {  	s0 =	sadd.s32 $0x8F2B, s0  }
0xcb: {  	[sflag:s0] =	ssyncadd.remote.s32 $0x1  }
0xcc: {  	_ =	sfence.sel $0xFFFF  }
0xcd: {  	[dreg:$0x0] =	wrdreg $0xFFFFFFFF;
	(pc) =	sbr.abs _section_cstart, $3  }
0xce: {  	[dreg:$0x1] =	wrdreg $0xFFFFFFFF  }
0xcf: {  	_ =	task.clear_ibuf [dreg:s22], $0x2FFFF;
	_ =	strace $0x9FFFFFFF  }
0xd0: {  	(tm) =	ssettm $0x7FFFFFFF  }
0xd1: {  	_ =	shalt  }
tec
execute0_lowered:
.L_overlay_start_1:
0x0: {  	(tag) =	ssettag $0x1  }
0x1: {  	s6 =	rddreg [dreg:$0x0];
	s2 =	srdreg.scid  }
0x2: {  	s0 =	rddreg [dreg:$0x1];
	s1 =	simm.s32 $0x0;
	s3 =	stileid.u32  }
0x3: {  	s9 =	simm.s32 $0x2;
	s10 =	simm.s32 $0x800;
	s11 =	simm.s32 $0x1000  }
0x4: {  	s12 =	simm.s32 $0x1800;
	s13 =	simm.s32 $0x2000;
	s14 =	simm.s32 $0x2800  }
.Ltmp0:
0x5: {  	s15 =	simm.s32 $0x3000;
	s2 =	sand.u32 $0x1, s2;
	(pc) =	sbr.rel .LBB2_1-.Ltmp0, $4  }
0x6: {  	s16 =	simm.s32 $0x1;
	s17 =	simm.s32 $0x0;
	s7 =	ssub.s32 $0x2, s2  }
0x7: {  	[smem:$0x7FF] =	sst s1;
	s4 =	sadd.s32 $0x10600, s6;
	s8 =	sshrl.u32 s7, $0x1  }
0x8: {  	s5 =	sadd.s32 $0x10C00, s6;
	s6 =	sadd.s32 $0x12E00, s6;
	s8 =	ssub.s32 s7, s8  }
0x9: {  	_ =	strace $0x8000004A;
	s7 =	sshll.u32 s3, $0x1;
	s8 =	smax.u32 s8, $0x1  }
.LBB2_7:
0xa: {  	s17 =	sadd.s32 $0x1, s17  }
0xb: {  	p0 =	sne.s32 s17, s8  }
.Ltmp1:
0xc: {  	_ = 	snop;
	(pc) =	sbr.rel @!p0 .LBB2_8-.Ltmp1, $1  }
0xd: {  	_ =	sdelay $0x3  }
.LBB2_1:
.Ltmp2:
0xe: {  	(pc) =	sbr.rel .LBB2_2-.Ltmp2, $2  }
0xf: {  	_ =	sdelay $0x2  }
0x10: {  	p1 =	por $0x1, $0x1;
	s18 =	simm.s32 $0x0  }
.LBB2_6:
.Ltmp3:
0x11: {  	(pc) =	sbr.rel @!p0 .LBB2_7-.Ltmp3, $2  }
0x12: {  	_ =	sdelay $0x2  }
0x13: {  	s18 =	simm.s32 $0x20;
	p1 =	por $0x0, $0x0  }
.LBB2_2:
0x14: {  	s18 =	sor.u32 s7, s18  }
0x15: {  	p2 =	sgt.u32 s18, $0x21  }
.Ltmp4:
0x16: {  	_ = 	snop;
	(pc) =	sbr.rel @p2 .LBB2_6-.Ltmp4, $2  }
0x17: {  	_ =	sdelay $0x2  }
0x18: {  	p0 =	por p1, p1  }
0x19: {  	s18 =	sor.u32 s2, s18  }
0x1a: {  	s19 =	smulhi.u32 $0xF0F0F0F1, s18;
	_ =	sdelay $0x1  }
0x1b: {  	s19 =	sshrl.u32 s19, $0x4  }
0x1c: {  	s20 =	smul.u32 $0x1800, s19;
	_ =	sdelay $0x1  }
0x1d: {  	s20 =	sshrl.u32 s20, $0x3  }
0x1e: {  	s21 =	simm.s32 $0x0;
	s20 =	sadd.s32 s4, s20  }
0x1f: {  	[tilespmem:s21], [sflag:$0x2] =	stream.linear.gather [hbm4b:s20+s21], $0x800, $0x38;
	[tilespmem:$0x3800] =	vst v63  }
0x20: {  	_ =	swait.ge [sflag:s9], $0x800  }
0x21: {  	[sflag:s9] =	ssyncset.done $0x0  }
0x22: {  	s22 =	sadd.s32 $0x100, s20;
	[sflag:s9] =	ssyncadd.s32 $0xFFFFF800  }
0x23: {  	[tilespmem:s10], [sflag:$0x2] =	stream.linear.gather [hbm4b:s22+s21], $0x800, $0x38;
	[tilespmem:$0x3800] =	vst v63  }
0x24: {  	_ =	swait.ge [sflag:s9], $0x800  }
0x25: {  	[sflag:s9] =	ssyncset.done $0x0  }
0x26: {  	s20 =	sadd.s32 $0x200, s20;
	[sflag:s9] =	ssyncadd.s32 $0xFFFFF800  }
0x27: {  	[tilespmem:s11], [sflag:$0x2] =	stream.linear.gather [hbm4b:s20+s21], $0x800, $0x38;
	[tilespmem:$0x3800] =	vst v63  }
0x28: {  	_ =	swait.ge [sflag:s9], $0x800  }
0x29: {  	s31 =	sshll.u32 s18, $0x8;
	[sflag:s9] =	ssyncset.done $0x0  }
0x2a: {  	s20 =	sadd.s32 s5, s31;
	[sflag:s9] =	ssyncadd.s32 $0xFFFFF800  }
0x2b: {  	[tilespmem:s12], [sflag:$0x2] =	stream.linear.gather [hbm4b:s20+s21], $0x800, $0x38;
	[tilespmem:$0x3800] =	vst v63  }
0x2c: {  	_ =	swait.ge [sflag:s9], $0x800  }
0x2d: {  	[sflag:s9] =	ssyncset.done $0x0  }
0x2e: {  	s20 =	simm.s32 $0x0;
	[sflag:s9] =	ssyncadd.s32 $0xFFFFF800  }
0x2f: {  	v1 =	vld [tilespmem:s20+$0x1800];
	_ =	sdelay $0x6  }
0x30: {  	v2 =	vld [tilespmem:s20+$0x0]  }
0x31: {  	v0 =	vld.idx.msk [tilespmem:v1+s1+$0x0], $0xffff;
	_ =	sdelay $0x4  }
0x32: {  	v0 =	vsub.f32 v0, v2;
	_ =	sdelay $0x1  }
0x33: {  	v2 =	vld [tilespmem:s20+$0x800];
	[tilespmem:s20+$0x2000] =	vst v0  }
0x34: {  	v0 =	vld.idx.msk [tilespmem:v1+s10+$0x0], $0xffff;
	_ =	sdelay $0x4  }
0x35: {  	v0 =	vsub.f32 v0, v2;
	_ =	sdelay $0x1  }
0x36: {  	[tilespmem:s20+$0x2800] =	vst v0;
	v0 =	vld [tilespmem:s20+$0x1000]  }
0x37: {  	s22 =	simm.s32 $0x10;
	s21 =	simm.s32 $0x80;
	v1 =	vld.idx.msk [tilespmem:v1+s11+$0x0], $0xffff  }
.LBB2_4:
0x38: {  	p1 =	sne.s32 s21, $0x1FC0;
	v2 =	vld [tilespmem:s22+$0x1800];
	_ =	sdelay $0x4  }
0x39: {  	v0 =	vsub.f32 v1, v0;
	_ =	sdelay $0x1  }
0x3a: {  	[tilespmem:s20+$0x3000] =	vst v0;
	s20 =	smov.u32 s22  }
0x3b: {  	v0 =	vld.idx.msk [tilespmem:v2+s1+$0x0], $0xffff  }
0x3c: {  	v1 =	vld [tilespmem:s20+$0x0];
	_ =	sdelay $0x4  }
0x3d: {  	v0 =	vsub.f32 v0, v1;
	_ =	sdelay $0x1  }
0x3e: {  	[tilespmem:s20+$0x2000] =	vst v0  }
0x3f: {  	v0 =	vld.idx.msk [tilespmem:v2+s10+$0x0], $0xffff  }
0x40: {  	v1 =	vld [tilespmem:s20+$0x800];
	_ =	sdelay $0x3  }
.Ltmp5:
0x41: {  	(pc) =	sbr.rel @p1 .LBB2_4-.Ltmp5, $3  }
0x42: {  	v0 =	vsub.f32 v0, v1;
	_ =	sdelay $0x1  }
0x43: {  	[tilespmem:s20+$0x2800] =	vst v0;
	v0 =	vld [tilespmem:s20+$0x1000]  }
0x44: {  	s22 =	sshra.s32 s21, $0x2;
	s21 =	sadd.s32 $0x40, s21;
	v1 =	vld.idx.msk [tilespmem:v2+s11+$0x0], $0xffff  }
0x45: {  	v2 =	vld [tilespmem:s22+$0x1800];
	_ =	sdelay $0x3  }
0x46: {  	v0 =	vsub.f32 v1, v0;
	_ =	sdelay $0x1  }
0x47: {  	[tilespmem:s20+$0x3000] =	vst v0  }
0x48: {  	v60 =	vld [tilespmem:s22+$0x0]  }
0x49: {  	v0 =	vld.idx.msk [tilespmem:v2+s1+$0x0], $0xffff;
	_ =	sdelay $0x4  }
0x4a: {  	v0 =	vsub.f32 v0, v60;
	_ =	sdelay $0x1  }
0x4b: {  	v61 =	vld [tilespmem:s22+$0x800];
	[tilespmem:s22+$0x2000] =	vst v0  }
0x4c: {  	v0 =	vld.idx.msk [tilespmem:v2+s10+$0x0], $0xffff;
	_ =	sdelay $0x4  }
0x4d: {  	v0 =	vsub.f32 v0, v61;
	_ =	sdelay $0x1  }
0x4e: {  	v62 =	vld [tilespmem:s22+$0x1000];
	[tilespmem:s22+$0x2800] =	vst v0  }
0x4f: {  	v63 =	vld.idx.msk [tilespmem:v2+s11+$0x0], $0xffff;
	_ =	sdelay $0x2  }
0x50: {  	s19 =	smul.u32 $0x55, s19;
	_ =	sdelay $0x1  }
0x51: {  	s18 =	sadd.s32 s18, s19;
	v0 =	vsub.f32 v63, v62  }
0x52: {  	s18 =	sshll.u32 s18, $0x8  }
0x53: {  	s26 =	sadd.s32 s6, s18;
	[tilespmem:s22+$0x3000] =	vst v0  }
0x54: {  	[hbm4b:s26+s1] =	stream.linear.scatter [tilespmem:s1], [sflag:$0x2], $0x800, $0x38;
	[tilespmem:$0x3800] =	vst v63  }
0x55: {  	s18 =	sand.u32 $0x1FFFFF00, s18;
	_ =	swait.ge [sflag:s9], $0x800  }
0x56: {  	s18 =	sadd.s32 s6, s18;
	[sflag:s9] =	ssyncset.done $0x0  }
0x57: {  	s28 =	sadd.s32 $0x1100, s18;
	[sflag:s9] =	ssyncadd.s32 $0xFFFFF800  }
0x58: {  	[hbm4b:s28+s1] =	stream.linear.scatter [tilespmem:s10], [sflag:$0x2], $0x800, $0x38;
	[tilespmem:$0x3800] =	vst v63  }
0x59: {  	_ =	swait.ge [sflag:s9], $0x800  }
0x5a: {  	[sflag:s9] =	ssyncset.done $0x0  }
0x5b: {  	s29 =	sadd.s32 $0x2200, s18;
	[sflag:s9] =	ssyncadd.s32 $0xFFFFF800  }
0x5c: {  	[hbm4b:s29+s1] =	stream.linear.scatter [tilespmem:s11], [sflag:$0x2], $0x800, $0x38;
	[tilespmem:$0x3800] =	vst v63  }
0x5d: {  	_ =	swait.ge [sflag:s9], $0x800  }
0x5e: {  	[sflag:s9] =	ssyncset.done $0x0  }
0x5f: {  	s30 =	sadd.s32 $0x3300, s18;
	[sflag:s9] =	ssyncadd.s32 $0xFFFFF800  }
0x60: {  	[hbm4b:s30+s1] =	stream.linear.scatter [tilespmem:s13], [sflag:$0x2], $0x800, $0x38;
	[tilespmem:$0x3800] =	vst v63  }
0x61: {  	_ =	swait.ge [sflag:s9], $0x800  }
0x62: {  	[sflag:s9] =	ssyncset.done $0x0  }
0x63: {  	s31 =	sadd.s32 $0x4400, s18;
	[sflag:s9] =	ssyncadd.s32 $0xFFFFF800  }
0x64: {  	[hbm4b:s31+s1] =	stream.linear.scatter [tilespmem:s14], [sflag:$0x2], $0x800, $0x38;
	[tilespmem:$0x3800] =	vst v63  }
0x65: {  	_ =	swait.ge [sflag:s9], $0x800  }
0x66: {  	[sflag:s9] =	ssyncset.done $0x0  }
.Ltmp6:
0x67: {  	s18 =	sadd.s32 $0x5500, s18;
	[sflag:s9] =	ssyncadd.s32 $0xFFFFF800;
	(pc) =	sbr.rel .LBB2_6-.Ltmp6, $4  }
0x68: {  	[hbm4b:s18+s1] =	stream.linear.scatter [tilespmem:s15], [sflag:$0x1], $0x800, $0x38;
	[tilespmem:$0x3800] =	vst v63  }
0x69: {  	_ =	swait.ge [sflag:s16], $0x800  }
0x6a: {  	[sflag:s16] =	ssyncset.done $0x0  }
0x6b: {  	[sflag:s16] =	ssyncadd.s32 $0xFFFFF800  }
.LBB2_8:
0x6c: {  	_ =	sfence.sel $0x180000  }
0x6d: {  	[bflag:$0x0] =	sbarrier.arrive $0xFFFF  }
0x6e: {  	p0 =	sne.s32 s3, $0x0;
	_ =	strace $0x9000004A  }
0x6f: {  	s0 =	sadd.s32 @!p0 $0x100000, s0;
	[bflag:$0x2] =	sbarrier.arrive $0xFFFF  }
0x70: {  	[sflag:s0] =	ssyncadd.tile.s32 @!p0 $0x1;
	_ =	shalt  }
.Lfunc_end2:
_tile_overlayer_lowered:
.L_overlay_start_2:
0x71: {  	(tag) =	ssettag $0x2  }
0x72: {  	s0 =	rddreg [dreg:$0x0];
	s2 =	stileid.u32  }
0x73: {  	s1 =	rddreg [dreg:$0x1];
	p0 =	sne.s32 s2, $0x0  }
0x74: {  	s3 =	rddreg [dreg:$0x2];
	[bflag:$0x3] =	sbarrier.arrive $0xFFFF;
	s2 =	simm.s32 @!p0 $0x1C01  }
0x75: {  	[timem:s3], [sflag:s2] =	dma.local @!p0 [hbm:s0], s1  }
0x76: {  	s0 =	simm.s32 @!p0 $0x1  }
0x77: {  	_ =	swait.ge @!p0 [sflag:s0], s1  }
0x78: {  	s1 =	ssub.s32 @!p0 $0x0, s1;
	[sflag:s0] =	ssyncset.done @!p0 $0x0  }
0x79: {  	[sflag:s0] =	ssyncadd.s32 @!p0 s1  }
0x7a: {  	[bflag:$0x3] =	sbarrier.arrive $0xFFFF  }
0x7b: {  	_ =	shalt  }

// kernel: kernel.19.cloned.1.call-start
scs
__scs_entry_jumppad:
0x0: {  	(pc) =	sbr.rel $0x88, $3  }
0x1: {  	(tag) =	ssettag $0x0;
	lr =	simm.s32 $0x1  }
0x2: {  	[smem:$0x3FA0] =	sst lr;
	_ =	strace $0xD0000000  }
0x3: {  	_ = 	snop  }
0x4: {  	_ = 	snop  }
0x5: {  	_ = 	snop  }
0x6: {  	_ = 	snop  }
0x7: {  	_ = 	snop  }
__scs_overlays_trampoline_lowered:
0x8: {  	[smem:$0x3FAF] =	sst s0  }
0x9: {  	[smem:$0x3FB0] =	sst s1  }
0xa: {  	[smem:$0x3FB1] =	sst s2  }
0xb: {  	[smem:$0x3FB2] =	sst s3  }
0xc: {  	[smem:$0x3FB3] =	sst s4  }
0xd: {  	[smem:$0x3FB4] =	sst s5  }
0xe: {  	[smem:$0x3FB5] =	sst s6  }
0xf: {  	[smem:$0x3FB6] =	sst s7  }
0x10: {  	[smem:$0x3FB7] =	sst s8  }
0x11: {  	[smem:$0x3FB8] =	sst s9;
	s0 =	simm.s32 @!p0 $0x0  }
0x12: {  	s1 =	sld [smem:$0x3F9E];
	s0 =	simm.s32 @p0 $0x1  }
0x13: {  	[smem:$0x3FB9] =	sst s0;
	s0 =	simm.s32 @!p1 $0x0  }
0x14: {  	s2 =	sld [smem:$0x3F9D];
	s0 =	simm.s32 @p1 $0x1  }
0x15: {  	[smem:$0x3FBA] =	sst s0;
	s0 =	simm.s32 @!p2 $0x0  }
0x16: {  	s3 =	sld [smem:$0x3FDB];
	s0 =	simm.s32 @p2 $0x1  }
0x17: {  	s4 =	simm.s32 $0x1BF5;
	[smem:$0x3FBC] =	sst s0  }
0x18: {  	s0 =	sld [smem:$0x3F9F];
	_ =	swait.ge [sflag:s4], $0x0  }
0x19: {  	s7 =	sld [smem:$0x3FA0]  }
0x1a: {  	s8 =	sadd.s32 $0xFFFFE003, lr  }
0x1b: {  	s9 =	sadd.s32 $0xFFFFFEF7, lr;
	s5 =	simm.s32 $0xFFFFFFFF;
	p2 =	slt.u32 s8, $0xFFFFF086  }
0x1c: {  	p1 =	slt.u32 s9, $0xF7A;
	s5 =	simm.s32 @!p2 $0x0  }
0x1d: {  	s5 =	simm.s32 @p1 $0x1;
	p0 =	seq.s32 s7, s2  }
0x1e: {  	s7 =	smul.u32 @!p0 $0xF7A, s2;
	p2 =	seq.s32 @!p0 s5, $0x0  }
0x1f: {  	s9 =	smul.u32 $0xF7A, s1;
	s8 =	simm.s32 @!p0 $0x1BF5;
	p2 =	por !p2, p0  }
0x20: {  	[sflag:s8] =	ssyncset.s32 @!p0 $0xFFFFF086;
	s6 =	sadd.s32 @!p0 s3, s7;
	s7 =	simm.s32 @!p0 $0x108  }
0x21: {  	s3 =	sadd.s32 s3, s9;
	s6 =	sadd.s32 @!p0 $0x88, s6;
	s7 =	simm.s32 @p2 $0x1082  }
0x22: {  	[simem:s7], [sflag:s8] =	dma.local @!p0 [hbm:s6], $0xF7A  }
0x23: {  	s9 =	sor.u32 $0xD0000000, s2;
	s6 =	simm.s32 $0x108;
	_ =	swait.ge @!p0 [sflag:s8], $0x0  }
0x24: {  	s3 =	sadd.s32 $0x88, s3;
	s6 =	simm.s32 @!p1 $0x1082;
	[sflag:s4] =	ssyncset.s32 $0xFFFFF086  }
0x25: {  	[simem:s6], [sflag:s4] =	dma.local [hbm:s3], $0xF7A  }
0x26: {  	[smem:$0x3FA0] =	sst s1;
	(tag) =	ssettag s2;
	_ =	strace s9  }
0x27: {  	s1 =	sld [smem:$0x3FB0]  }
0x28: {  	s2 =	sld [smem:$0x3FB1]  }
0x29: {  	s4 =	sld [smem:$0x3FB3]  }
0x2a: {  	p0 =	seq.s32 s5, $0x0;
	s5 =	sld [smem:$0x3FB4]  }
0x2b: {  	s6 =	sld [smem:$0x3FB5]  }
0x2c: {  	s7 =	sld [smem:$0x3FB6]  }
0x2d: {  	s3 =	simm.s32 $0x108;
	s8 =	sld [smem:$0x3FB7]  }
0x2e: {  	s3 =	simm.s32 @!p0 $0x1082;
	s9 =	sld [smem:$0x3FB8]  }
0x2f: {  	lr =	sadd.s32 s0, s3;
	s0 =	sld [smem:$0x3FAF]  }
0x30: {  	s3 =	sld [smem:$0x3FB2]  }
0x31: {  	[smem:$0x3FBB] =	sst s10  }
0x32: {  	s10 =	sld [smem:$0x3FB9];
	_ =	sdelay $0x3  }
0x33: {  	p0 =	seq.s32 s10, $0x1;
	s10 =	sld [smem:$0x3FBB];
	_ =	sdelay $0x3  }
0x34: {  	[smem:$0x3FBB] =	sst s10  }
0x35: {  	s10 =	sld [smem:$0x3FBA];
	_ =	sdelay $0x3  }
0x36: {  	p1 =	seq.s32 s10, $0x1;
	s10 =	sld [smem:$0x3FBB];
	_ =	sdelay $0x3  }
0x37: {  	[smem:$0x3FBB] =	sst s10  }
0x38: {  	s10 =	sld [smem:$0x3FBC]  }
0x39: {  	_ = 	snop;
	(pc) =	sbr.ind lr, $3  }
0x3a: {  	_ = 	snop  }
0x3b: {  	_ = 	snop  }
0x3c: {  	p2 =	seq.s32 s10, $0x1;
	s10 =	sld [smem:$0x3FBB]  }
0x3d: {  	_ =	shalt  }
0x3e: {  	_ =	shalt  }
0x3f: {  	_ =	shalt  }
0x40: {  	_ =	shalt  }
0x41: {  	_ =	shalt  }
0x42: {  	_ =	shalt  }
0x43: {  	_ =	shalt  }
0x44: {  	_ =	shalt  }
0x45: {  	_ =	shalt  }
0x46: {  	_ =	shalt  }
0x47: {  	_ =	shalt  }
0x48: {  	_ =	shalt  }
0x49: {  	_ =	shalt  }
0x4a: {  	_ =	shalt  }
0x4b: {  	_ =	shalt  }
0x4c: {  	_ =	shalt  }
0x4d: {  	_ =	shalt  }
0x4e: {  	_ =	shalt  }
0x4f: {  	_ =	shalt  }
0x50: {  	_ =	shalt  }
0x51: {  	_ =	shalt  }
0x52: {  	_ =	shalt  }
0x53: {  	_ =	shalt  }
0x54: {  	_ =	shalt  }
0x55: {  	_ =	shalt  }
0x56: {  	_ =	shalt  }
0x57: {  	_ =	shalt  }
0x58: {  	_ =	shalt  }
0x59: {  	_ =	shalt  }
0x5a: {  	_ =	shalt  }
0x5b: {  	_ =	shalt  }
0x5c: {  	_ =	shalt  }
0x5d: {  	_ =	shalt  }
0x5e: {  	_ =	shalt  }
0x5f: {  	_ =	shalt  }
0x60: {  	_ =	shalt  }
0x61: {  	_ =	shalt  }
0x62: {  	_ =	shalt  }
0x63: {  	_ =	shalt  }
0x64: {  	_ =	shalt  }
0x65: {  	_ =	shalt  }
0x66: {  	_ =	shalt  }
0x67: {  	_ =	shalt  }
0x68: {  	_ =	shalt  }
0x69: {  	_ =	shalt  }
0x6a: {  	_ =	shalt  }
0x6b: {  	_ =	shalt  }
0x6c: {  	_ =	shalt  }
0x6d: {  	_ =	shalt  }
0x6e: {  	_ =	shalt  }
0x6f: {  	_ =	shalt  }
0x70: {  	_ =	shalt  }
0x71: {  	_ =	shalt  }
0x72: {  	_ =	shalt  }
0x73: {  	_ =	shalt  }
0x74: {  	_ =	shalt  }
0x75: {  	_ =	shalt  }
0x76: {  	_ =	shalt  }
0x77: {  	_ =	shalt  }
0x78: {  	_ =	shalt  }
0x79: {  	_ =	shalt  }
0x7a: {  	_ =	shalt  }
0x7b: {  	_ =	shalt  }
0x7c: {  	_ =	shalt  }
0x7d: {  	_ =	shalt  }
0x7e: {  	_ =	shalt  }
0x7f: {  	_ =	shalt  }
0x80: {  	_ =	shalt  }
0x81: {  	_ =	shalt  }
0x82: {  	_ =	shalt  }
0x83: {  	_ =	shalt  }
0x84: {  	_ =	shalt  }
0x85: {  	_ =	shalt  }
0x86: {  	_ =	shalt  }
0x87: {  	_ =	shalt  }
.Lfunc_end0:
.L_simem_size_0:
called_computation.3_lowered:
.L_overlay_start_0:
0x88: {  	s2 =	sld [smem:$0x3FD9]  }
0x89: {  	s3 =	sld [smem:$0x3FFE];
	_ =	sdelay $0x1  }
0x8a: {  	s1 =	srdreg.scid  }
0x8b: {  	s0 =	sand.u32 $0x1, s1  }
0x8c: {  	s15 =	sshll.u32 s0, $0xA;
	s2 =	sadd.s32 s3, s2  }
0x8d: {  	s2 =	sadd.s32 s2, s15  }
0x8e: {  	[smem:$0x3FC7] =	sst s2  }
0x8f: {  	_ = 	snop  }
0x90: {  	s2 =	sld [smem:$0x3FD0];
	_ =	sdelay $0x2  }
0x91: {  	s16 =	simm.s32 $0xD;
	s4 =	simm.s32 $0x10  }
0x92: {  	[smem:s4], [sflag:s16] =	dma.local [hbm:s2], $0x1  }
0x93: {  	_ =	swait.eq [sflag:s16], $0x1  }
0x94: {  	[sflag:s16] =	ssyncset.done $0x0  }
0x95: {  	[sflag:s16] =	ssyncadd.s32 $0xFFFFFFFF  }
0x96: {  	s17 =	sld [smem:$0x10];
	(tm) =	ssettm $0x1  }
0x97: {  	s18 =	sld [smem:$0x3FFB];
	_ =	sdelay $0x3  }
0x98: {  	_ =	strace s18  }
0x99: {  	s2 =	sld [smem:$0x3FFC];
	_ =	sdelay $0x3  }
0x9a: {  	_ =	strace s2  }
0x9b: {  	s2 =	sld [smem:$0x3FFD];
	_ =	sdelay $0x3  }
0x9c: {  	_ =	strace s2  }
0x9d: {  	_ =	strace $0x8FFFFFFF  }
0x9e: {  	s19 =	sld [smem:$0x3FDB];
	_ =	sdelay $0x1  }
0x9f: {  	s20 =	simm.s32 $_scs_section_size  }
0xa0: {  	s5 =	simm.s32 $_size__tile_overlayer_lowered;
	s6 =	simm.s32 $_tile_overlayer_lowered  }
0xa1: {  	s7 =	simm.s32 $0x1BFF;
	s21 =	sshll.u32 s6, $0x1;
	s4 =	sadd.s32 s20, s19  }
0xa2: {  	s22 =	simm.s32 $0x0;
	s5 =	sshll.u32 s5, $0x1;
	s6 =	sadd.s32 s21, s4  }
0xa3: {  	[timem:s22], [sflag:s7] =	dma.local [hbm:s6], s5  }
0xa4: {  	_ =	swait.ge [sflag:s7], s5  }
0xa5: {  	s5 =	ssub.s32 $0x0, s5;
	[sflag:s7] =	ssyncset.done $0x0  }
0xa6: {  	[sflag:s7] =	ssyncadd.s32 s5;
	_ =	sdelay $0x1  }
0xa7: {  	s23 =	simm.s32 $0x1B8B  }
0xa8: {  	_ =	swait.ge [sflag:s23], $0x1  }
0xa9: {  	[sflag:s23] =	ssyncset.done $0x0  }
0xaa: {  	[sflag:s23] =	ssyncadd.s32 $0xFFFFFFFF  }
0xab: {  	s5 =	sld [smem:$0x0]  }
0xac: {  	s6 =	sand.u32 $0xFFFFFFFE, s1  }
0xad: {  	p0 =	sne.s32 s1, s6  }
0xae: {  	s6 =	sshll.u32 @p0 s6, $0xE  }
0xaf: {  	s6 =	sadd.s32 @p0 $0x11B8D, s6;
	s7 =	sshll.u32 @p0 s5, $0x11  }
0xb0: {  	s6 =	sor.u32 @p0 s7, s6  }
0xb1: {  	[sflag:s6] =	ssyncadd.remote.s32 @p0 $0x1;
	_ =	sdelay $0x1  }
0xb2: {  	s6 =	simm.s32 @p0 $0x1B8D  }
0xb3: {  	_ =	swait.eq @p0 [sflag:s6], $0x1  }
0xb4: {  	[sflag:s6] =	ssyncadd.s32 @p0 $0xFFFFFFFF  }
0xb5: {  	s7 =	sshll.u32 @!p0 s1, $0xE  }
0xb6: {  	s7 =	sor.u32 @!p0 $0x4000, s7;
	s6 =	simm.s32 @!p0 $0x1B8D  }
0xb7: {  	s5 =	sshll.u32 @!p0 s5, $0x11;
	s7 =	sadd.s32 @!p0 $0x11B8D, s7;
	_ =	swait.eq @!p0 [sflag:s6], $0x1  }
0xb8: {  	s5 =	sor.u32 @!p0 s5, s7;
	[sflag:s6] =	ssyncadd.s32 @!p0 $0xFFFFFFFF  }
0xb9: {  	s25 =	simm.s32 $0x1B8E;
	s24 =	sld [smem:$0x3FFE];
	[sflag:s5] =	ssyncadd.remote.s32 @!p0 $0x1  }
0xba: {  	s26 =	simm.s32 $execute0_lowered;
	[smem:$0x3FD2] =	sst s25  }
0xbb: {  	s6 =	sshll.u32 s26, $0x1;
	_ =	strace $0x8000004F;
	[dreg:$0x1] =	wrdreg $0xFFFFFFFF  }
0xbc: {  	s28 =	simm.s32 $_size_execute0_lowered;
	s4 =	sadd.s32 s4, s6;
	[dreg:$0x0] =	wrdreg $0x0  }
0xbd: {  	s6 =	sshll.u32 s28, $0x1;
	[dreg:$0x2] =	wrdreg s4  }
0xbe: {  	[dreg:$0x3] =	wrdreg s6  }
0xbf: {  	[dreg:$0x4] =	wrdreg $0xC0  }
0xc0: {  	_ =	task [dreg:s22], $0x5FFFF  }
0xc1: {  	[dreg:$0x1] =	wrdreg $0xFFFFFFFF  }
0xc2: {  	[dreg:$0x0] =	wrdreg $0x60  }
0xc3: {  	[dreg:$0x2] =	wrdreg s24  }
0xc4: {  	[dreg:$0x3] =	wrdreg s17  }
0xc5: {  	[dreg:$0x4] =	wrdreg $0xC  }
0xc6: {  	_ =	task.clear_ibuf [dreg:s22], $0x5FFFF;
	_ =	strace $0x9000004F  }
0xc7: {  	s29 =	simm.s32 $0xC;
	_ =	strace $0x80000051  }
0xc8: {  	_ =	swait.ge [sflag:s29], $0x1  }
0xc9: {  	[sflag:s29] =	ssyncadd.s32 $0xFFFFFFFF  }
0xca: {  	_ =	strace $0x90000051  }
0xcb: {  	_ =	sfence  }
0xcc: {  	s30 =	sld [smem:$0x0];
	_ =	sdelay $0x2  }
0xcd: {  	s31 =	sshll.u32 s1, $0xD;
	s1 =	sshrl.u32 s1, $0x2  }
0xce: {  	s4 =	sand.u32 $0x4000, s31;
	s1 =	sadd.s32 s1, s30  }
0xcf: {  	s0 =	sor.u32 s4, s0;
	s1 =	sshll.u32 s1, $0x11  }
0xd0: {  	s0 =	sor.u32 s1, s0  }
0xd1: {  	s0 =	sadd.s32 $0x8F2B, s0  }
0xd2: {  	[sflag:s0] =	ssyncadd.remote.s32 $0x1  }
0xd3: {  	_ =	sfence.sel $0xFFFF  }
0xd4: {  	[dreg:$0x0] =	wrdreg $0xFFFFFFFF;
	(pc) =	sbr.abs _section_cstart, $3  }
0xd5: {  	[dreg:$0x1] =	wrdreg $0xFFFFFFFF  }
0xd6: {  	_ =	task.clear_ibuf [dreg:s22], $0x2FFFF;
	_ =	strace $0x9FFFFFFF  }
0xd7: {  	(tm) =	ssettm $0x7FFFFFFF  }
tec
execute0_lowered:
.L_overlay_start_1:
0x0: {  	(tag) =	ssettag $0x1  }
0x1: {  	s6 =	rddreg [dreg:$0x0]  }
0x2: {  	s1 =	rddreg [dreg:$0x1]  }
0x3: {  	s3 =	srdreg.scid;
	s0 =	rddreg [dreg:$0x2];
	s2 =	simm.s32 $0x0  }
0x4: {  	s4 =	stileid.u32;
	s9 =	simm.s32 $0x2;
	s10 =	simm.s32 $0x800  }
0x5: {  	s11 =	simm.s32 $0x1000;
	s12 =	simm.s32 $0x1800;
	s13 =	simm.s32 $0x2000  }
.Ltmp0:
0x6: {  	s14 =	simm.s32 $0x2800;
	s3 =	sand.u32 $0x1, s3;
	(pc) =	sbr.rel .LBB2_1-.Ltmp0, $4  }
0x7: {  	s15 =	simm.s32 $0x3000;
	s16 =	simm.s32 $0x1;
	s7 =	ssub.s32 $0x2, s3  }
0x8: {  	s17 =	simm.s32 $0x0;
	[smem:$0x7FF] =	sst s2;
	s8 =	sshrl.u32 s7, $0x1  }
0x9: {  	s5 =	sadd.s32 $0x2EE00, s6;
	s6 =	sadd.s32 $0x2F400, s6;
	s8 =	ssub.s32 s7, s8  }
0xa: {  	_ =	strace $0x80000050;
	s7 =	sshll.u32 s4, $0x1;
	s8 =	smax.u32 s8, $0x1  }
.LBB2_7:
0xb: {  	s17 =	sadd.s32 $0x1, s17  }
0xc: {  	p0 =	sne.s32 s17, s8  }
.Ltmp1:
0xd: {  	_ = 	snop;
	(pc) =	sbr.rel @!p0 .LBB2_8-.Ltmp1, $1  }
0xe: {  	_ =	sdelay $0x3  }
.LBB2_1:
.Ltmp2:
0xf: {  	(pc) =	sbr.rel .LBB2_2-.Ltmp2, $2  }
0x10: {  	_ =	sdelay $0x2  }
0x11: {  	p1 =	por $0x1, $0x1;
	s18 =	simm.s32 $0x0  }
.LBB2_6:
.Ltmp3:
0x12: {  	(pc) =	sbr.rel @!p0 .LBB2_7-.Ltmp3, $2  }
0x13: {  	_ =	sdelay $0x2  }
0x14: {  	s18 =	simm.s32 $0x20;
	p1 =	por $0x0, $0x0  }
.LBB2_2:
0x15: {  	s18 =	sor.u32 s7, s18  }
0x16: {  	p2 =	sgt.u32 s18, $0x21  }
.Ltmp4:
0x17: {  	_ = 	snop;
	(pc) =	sbr.rel @p2 .LBB2_6-.Ltmp4, $2  }
0x18: {  	_ =	sdelay $0x2  }
0x19: {  	p0 =	por p1, p1  }
0x1a: {  	s18 =	sor.u32 s3, s18  }
0x1b: {  	s19 =	smulhi.u32 $0xF0F0F0F1, s18;
	_ =	sdelay $0x1  }
0x1c: {  	s19 =	sshrl.u32 s19, $0x4  }
0x1d: {  	s20 =	smul.u32 $0x1800, s19;
	_ =	sdelay $0x1  }
0x1e: {  	s20 =	sshrl.u32 s20, $0x3  }
0x1f: {  	s21 =	simm.s32 $0x0;
	s20 =	sadd.s32 s5, s20  }
0x20: {  	[tilespmem:s21], [sflag:$0x2] =	stream.linear.gather [hbm4b:s20+s21], $0x800, $0x38;
	[tilespmem:$0x3800] =	vst v63  }
0x21: {  	_ =	swait.ge [sflag:s9], $0x800  }
0x22: {  	[sflag:s9] =	ssyncset.done $0x0  }
0x23: {  	s22 =	sadd.s32 $0x100, s20;
	[sflag:s9] =	ssyncadd.s32 $0xFFFFF800  }
0x24: {  	[tilespmem:s10], [sflag:$0x2] =	stream.linear.gather [hbm4b:s22+s21], $0x800, $0x38;
	[tilespmem:$0x3800] =	vst v63  }
0x25: {  	_ =	swait.ge [sflag:s9], $0x800  }
0x26: {  	[sflag:s9] =	ssyncset.done $0x0  }
0x27: {  	s20 =	sadd.s32 $0x200, s20;
	[sflag:s9] =	ssyncadd.s32 $0xFFFFF800  }
0x28: {  	[tilespmem:s11], [sflag:$0x2] =	stream.linear.gather [hbm4b:s20+s21], $0x800, $0x38;
	[tilespmem:$0x3800] =	vst v63  }
0x29: {  	_ =	swait.ge [sflag:s9], $0x800  }
0x2a: {  	s31 =	sshll.u32 s18, $0x8;
	[sflag:s9] =	ssyncset.done $0x0  }
0x2b: {  	s20 =	sadd.s32 s6, s31;
	[sflag:s9] =	ssyncadd.s32 $0xFFFFF800  }
0x2c: {  	[tilespmem:s12], [sflag:$0x2] =	stream.linear.gather [hbm4b:s20+s21], $0x800, $0x38;
	[tilespmem:$0x3800] =	vst v63  }
0x2d: {  	_ =	swait.ge [sflag:s9], $0x800  }
0x2e: {  	[sflag:s9] =	ssyncset.done $0x0  }
0x2f: {  	s20 =	simm.s32 $0x0;
	[sflag:s9] =	ssyncadd.s32 $0xFFFFF800  }
0x30: {  	v1 =	vld [tilespmem:s20+$0x1800];
	_ =	sdelay $0x6  }
0x31: {  	v2 =	vld [tilespmem:s20+$0x0]  }
0x32: {  	v0 =	vld.idx.msk [tilespmem:v1+s2+$0x0], $0xffff;
	_ =	sdelay $0x4  }
0x33: {  	v0 =	vsub.f32 v0, v2;
	_ =	sdelay $0x1  }
0x34: {  	v2 =	vld [tilespmem:s20+$0x800];
	[tilespmem:s20+$0x2000] =	vst v0  }
0x35: {  	v0 =	vld.idx.msk [tilespmem:v1+s10+$0x0], $0xffff;
	_ =	sdelay $0x4  }
0x36: {  	v0 =	vsub.f32 v0, v2;
	_ =	sdelay $0x1  }
0x37: {  	[tilespmem:s20+$0x2800] =	vst v0;
	v0 =	vld [tilespmem:s20+$0x1000]  }
0x38: {  	s22 =	simm.s32 $0x10;
	s21 =	simm.s32 $0x80;
	v1 =	vld.idx.msk [tilespmem:v1+s11+$0x0], $0xffff  }
.LBB2_4:
0x39: {  	p1 =	sne.s32 s21, $0x1FC0;
	v2 =	vld [tilespmem:s22+$0x1800];
	_ =	sdelay $0x4  }
0x3a: {  	v0 =	vsub.f32 v1, v0;
	_ =	sdelay $0x1  }
0x3b: {  	[tilespmem:s20+$0x3000] =	vst v0;
	s20 =	smov.u32 s22  }
0x3c: {  	v0 =	vld.idx.msk [tilespmem:v2+s2+$0x0], $0xffff  }
0x3d: {  	v1 =	vld [tilespmem:s20+$0x0];
	_ =	sdelay $0x4  }
0x3e: {  	v0 =	vsub.f32 v0, v1;
	_ =	sdelay $0x1  }
0x3f: {  	[tilespmem:s20+$0x2000] =	vst v0  }
0x40: {  	v0 =	vld.idx.msk [tilespmem:v2+s10+$0x0], $0xffff  }
0x41: {  	v1 =	vld [tilespmem:s20+$0x800];
	_ =	sdelay $0x3  }
.Ltmp5:
0x42: {  	(pc) =	sbr.rel @p1 .LBB2_4-.Ltmp5, $3  }
0x43: {  	v0 =	vsub.f32 v0, v1;
	_ =	sdelay $0x1  }
0x44: {  	[tilespmem:s20+$0x2800] =	vst v0;
	v0 =	vld [tilespmem:s20+$0x1000]  }
0x45: {  	s22 =	sshra.s32 s21, $0x2;
	s21 =	sadd.s32 $0x40, s21;
	v1 =	vld.idx.msk [tilespmem:v2+s11+$0x0], $0xffff  }
0x46: {  	v2 =	vld [tilespmem:s22+$0x1800];
	_ =	sdelay $0x3  }
0x47: {  	v0 =	vsub.f32 v1, v0;
	_ =	sdelay $0x1  }
0x48: {  	[tilespmem:s20+$0x3000] =	vst v0  }
0x49: {  	v60 =	vld [tilespmem:s22+$0x0]  }
0x4a: {  	v0 =	vld.idx.msk [tilespmem:v2+s2+$0x0], $0xffff;
	_ =	sdelay $0x4  }
0x4b: {  	v0 =	vsub.f32 v0, v60;
	_ =	sdelay $0x1  }
0x4c: {  	v61 =	vld [tilespmem:s22+$0x800];
	[tilespmem:s22+$0x2000] =	vst v0  }
0x4d: {  	v0 =	vld.idx.msk [tilespmem:v2+s10+$0x0], $0xffff;
	_ =	sdelay $0x4  }
0x4e: {  	v0 =	vsub.f32 v0, v61;
	_ =	sdelay $0x1  }
0x4f: {  	v62 =	vld [tilespmem:s22+$0x1000];
	[tilespmem:s22+$0x2800] =	vst v0  }
0x50: {  	v63 =	vld.idx.msk [tilespmem:v2+s11+$0x0], $0xffff;
	_ =	sdelay $0x2  }
0x51: {  	s19 =	smul.u32 $0x55, s19;
	_ =	sdelay $0x1  }
0x52: {  	s18 =	sadd.s32 s18, s19;
	v0 =	vsub.f32 v63, v62  }
0x53: {  	s18 =	sshll.u32 s18, $0x8  }
0x54: {  	s26 =	sadd.s32 s1, s18;
	[tilespmem:s22+$0x3000] =	vst v0  }
0x55: {  	[hbm4b:s26+s2] =	stream.linear.scatter [tilespmem:s2], [sflag:$0x2], $0x800, $0x38;
	[tilespmem:$0x3800] =	vst v63  }
0x56: {  	s18 =	sand.u32 $0x1FFFFF00, s18;
	_ =	swait.ge [sflag:s9], $0x800  }
0x57: {  	s18 =	sadd.s32 s1, s18;
	[sflag:s9] =	ssyncset.done $0x0  }
0x58: {  	s28 =	sadd.s32 $0x1100, s18;
	[sflag:s9] =	ssyncadd.s32 $0xFFFFF800  }
0x59: {  	[hbm4b:s28+s2] =	stream.linear.scatter [tilespmem:s10], [sflag:$0x2], $0x800, $0x38;
	[tilespmem:$0x3800] =	vst v63  }
0x5a: {  	_ =	swait.ge [sflag:s9], $0x800  }
0x5b: {  	[sflag:s9] =	ssyncset.done $0x0  }
0x5c: {  	s29 =	sadd.s32 $0x2200, s18;
	[sflag:s9] =	ssyncadd.s32 $0xFFFFF800  }
0x5d: {  	[hbm4b:s29+s2] =	stream.linear.scatter [tilespmem:s11], [sflag:$0x2], $0x800, $0x38;
	[tilespmem:$0x3800] =	vst v63  }
0x5e: {  	_ =	swait.ge [sflag:s9], $0x800  }
0x5f: {  	[sflag:s9] =	ssyncset.done $0x0  }
0x60: {  	s30 =	sadd.s32 $0x3300, s18;
	[sflag:s9] =	ssyncadd.s32 $0xFFFFF800  }
0x61: {  	[hbm4b:s30+s2] =	stream.linear.scatter [tilespmem:s13], [sflag:$0x2], $0x800, $0x38;
	[tilespmem:$0x3800] =	vst v63  }
0x62: {  	_ =	swait.ge [sflag:s9], $0x800  }
0x63: {  	[sflag:s9] =	ssyncset.done $0x0  }
0x64: {  	s31 =	sadd.s32 $0x4400, s18;
	[sflag:s9] =	ssyncadd.s32 $0xFFFFF800  }
0x65: {  	[hbm4b:s31+s2] =	stream.linear.scatter [tilespmem:s14], [sflag:$0x2], $0x800, $0x38;
	[tilespmem:$0x3800] =	vst v63  }
0x66: {  	_ =	swait.ge [sflag:s9], $0x800  }
0x67: {  	[sflag:s9] =	ssyncset.done $0x0  }
.Ltmp6:
0x68: {  	s18 =	sadd.s32 $0x5500, s18;
	[sflag:s9] =	ssyncadd.s32 $0xFFFFF800;
	(pc) =	sbr.rel .LBB2_6-.Ltmp6, $4  }
0x69: {  	[hbm4b:s18+s2] =	stream.linear.scatter [tilespmem:s15], [sflag:$0x1], $0x800, $0x38;
	[tilespmem:$0x3800] =	vst v63  }
0x6a: {  	_ =	swait.ge [sflag:s16], $0x800  }
0x6b: {  	[sflag:s16] =	ssyncset.done $0x0  }
0x6c: {  	[sflag:s16] =	ssyncadd.s32 $0xFFFFF800  }
.LBB2_8:
0x6d: {  	_ =	sfence.sel $0x180000  }
0x6e: {  	[bflag:$0x0] =	sbarrier.arrive $0xFFFF  }
0x6f: {  	p0 =	sne.s32 s4, $0x0;
	_ =	strace $0x90000050  }
0x70: {  	s0 =	sadd.s32 @!p0 $0x100000, s0;
	[bflag:$0x2] =	sbarrier.arrive $0xFFFF  }
0x71: {  	[sflag:s0] =	ssyncadd.tile.s32 @!p0 $0x1;
	_ =	shalt  }
.Lfunc_end2:
_tile_overlayer_lowered:
.L_overlay_start_2:
0x72: {  	(tag) =	ssettag $0x2  }
0x73: {  	s0 =	rddreg [dreg:$0x0];
	s2 =	stileid.u32  }
0x74: {  	s1 =	rddreg [dreg:$0x1];
	p0 =	sne.s32 s2, $0x0  }
0x75: {  	s3 =	rddreg [dreg:$0x2];
	[bflag:$0x3] =	sbarrier.arrive $0xFFFF;
	s2 =	simm.s32 @!p0 $0x1C01  }
0x76: {  	[timem:s3], [sflag:s2] =	dma.local @!p0 [hbm:s0], s1  }
0x77: {  	s0 =	simm.s32 @!p0 $0x1  }
0x78: {  	_ =	swait.ge @!p0 [sflag:s0], s1  }
0x79: {  	s1 =	ssub.s32 @!p0 $0x0, s1;
	[sflag:s0] =	ssyncset.done @!p0 $0x0  }
0x7a: {  	[sflag:s0] =	ssyncadd.s32 @!p0 s1  }
0x7b: {  	[bflag:$0x3] =	sbarrier.arrive $0xFFFF  }
0x7c: {  	_ =	shalt  }

</sc_bundles>
